<compile_context>
chip_gen: v7x
topology: tpu7x:2x2x1
jax: 0.10.2.dev20260603
libtpu: 0.0.44.dev20260713+nightly
codegen_flags: <defaults>
</compile_context>

<pallas_src>
import functools

import jax
import jax.numpy as jnp
from jax import lax
from jax.experimental import pallas as pl
from jax.experimental.pallas import tpu as pltpu
from jax.experimental.pallas import tpu_sc as plsc

_SIZE = 512
_L = 16
_NC = 2
_NS = 16


@functools.lru_cache(maxsize=None)
def _make_project(T, P, NV, NU):
    tpad = -(-T // _L) * _L
    nchunk = P // _L
    t8 = -(-T // 8) * 8
    RV = 0
    RU = RV + NV
    RF = RU + NU
    RG = RF + t8
    RP = RG + t8
    NIN = 3 * (RP + P)

    mesh = plsc.VectorSubcoreMesh(
        core_axis_name="c", subcore_axis_name="s", num_cores=_NC, num_subcores=_NS
    )

    @functools.partial(
        pl.kernel,
        out_type=jax.ShapeDtypeStruct((P * 3,), jnp.float32),
        mesh=mesh,
        compiler_params=pltpu.CompilerParams(needs_layout_passes=False),
        scratch_types=[
            pltpu.VMEM((NIN,), jnp.float32),
            pltpu.VMEM((tpad * 32,), jnp.float32),
            pltpu.VMEM((3 * _L,), jnp.float32),
            pltpu.SemaphoreType.DMA,
        ],
    )
    def project(in_hbm, out_hbm, buf, tab, obuf, s0):
        wid = lax.axis_index("s") * _NC + lax.axis_index("c")

        @pl.when(wid < nchunk)
        def _():
            pltpu.async_copy(in_hbm, buf, s0).wait()

            iota = lax.broadcasted_iota(jnp.int32, (_L,), 0)

            def phase1(g, carry):
                lanes = iota + g * _L
                lt = jnp.minimum(lanes, T - 1)
                ft = (lt + RF) * 3
                gt = (lt + RG) * 3
                fi0 = plsc.bitcast(plsc.load_gather(buf, [ft]), jnp.int32)
                fi1 = plsc.bitcast(plsc.load_gather(buf, [ft + 1]), jnp.int32)
                fi2 = plsc.bitcast(plsc.load_gather(buf, [ft + 2]), jnp.int32)
                uf0 = plsc.bitcast(plsc.load_gather(buf, [gt]), jnp.int32)
                uf1 = plsc.bitcast(plsc.load_gather(buf, [gt + 1]), jnp.int32)
                uf2 = plsc.bitcast(plsc.load_gather(buf, [gt + 2]), jnp.int32)

                ax = plsc.load_gather(buf, [fi0 * 3])
                ay = plsc.load_gather(buf, [fi0 * 3 + 1])
                az = plsc.load_gather(buf, [fi0 * 3 + 2])
                bx = plsc.load_gather(buf, [fi1 * 3])
                by = plsc.load_gather(buf, [fi1 * 3 + 1])
                bz = plsc.load_gather(buf, [fi1 * 3 + 2])
                cx = plsc.load_gather(buf, [fi2 * 3])
                cy = plsc.load_gather(buf, [fi2 * 3 + 1])
                cz = plsc.load_gather(buf, [fi2 * 3 + 2])
                ua = plsc.load_gather(buf, [(uf0 + RU) * 3])
                va = plsc.load_gather(buf, [(uf0 + RU) * 3 + 1])
                ub = plsc.load_gather(buf, [(uf1 + RU) * 3])
                vb = plsc.load_gather(buf, [(uf1 + RU) * 3 + 1])
                uc = plsc.load_gather(buf, [(uf2 + RU) * 3])
                vc = plsc.load_gather(buf, [(uf2 + RU) * 3 + 1])

                cross = (bx - ax) * (cy - ay) - (by - ay) * (cx - ax)
                w = 0.5 * cross
                valid = (cross > 0.0) & (w >= 1e-9)
                wsafe = jnp.where(w == 0.0, 1.0, w)
                h = 0.5 / wsafe

                def edge(qx, qy, rx, ry):
                    return ((qx * ry - qy * rx) * h,
                            (qy - ry) * h,
                            (rx - qx) * h)

                w1c0, w1cx, w1cy = edge(bx, by, cx, cy)
                w2c0, w2cx, w2cy = edge(cx, cy, ax, ay)
                a0c0, a0cx, a0cy = edge(ax, ay, bx, by)

                inf = jnp.float32(jnp.inf)
                xmin = jnp.where(valid, jnp.minimum(jnp.minimum(ax, bx), cx), inf)
                xmax = jnp.where(valid, jnp.maximum(jnp.maximum(ax, bx), cx), -inf)
                ymin = jnp.minimum(jnp.minimum(ay, by), cy)
                ymax = jnp.maximum(jnp.maximum(ay, by), cy)

                zia = 1.0 / az
                zib = 1.0 / bz
                zic = 1.0 / cz
                rows = [
                    xmin, xmax, ymin, ymax,
                    w1c0, w1cx, w1cy,
                    w2c0, w2cx, w2cy,
                    a0c0, a0cx, a0cy,
                    ua * zia, ub * zib, uc * zic,
                    va * zia, vb * zib, vc * zic,
                    zia, zib, zic,
                ]
                for k, val in enumerate(rows):
                    plsc.store_scatter(tab, [lanes * 32 + k], val)
                return carry

            lax.fori_loop(0, tpad // _L, phase1, 0)

            prow = (iota + (wid * _L + RP)) * 3
            px = plsc.load_gather(buf, [prow])
            py = plsc.load_gather(buf, [prow + 1])
            px = px / (_SIZE - 1) * 2.0 - 1.0
            py = (_SIZE - py) / (_SIZE - 1) * 2.0 - 1.0

            def body(t, carry):
                bs, bu, bv = carry
                ca = tab[pl.ds(t * 32, _L)]
                cb = tab[pl.ds(t * 32 + _L, _L)]
                inb = ((px >= ca[0]) & (px <= ca[1])
                       & (py >= ca[2]) & (py <= ca[3]))
                w1 = ca[4] + ca[5] * px + ca[6] * py
                w2 = ca[7] + ca[8] * px + ca[9] * py
                a0 = ca[10] + ca[11] * px + ca[12] * py
                w3 = 1.0 - w1 - w2
                zi = w1 * cb[3] + w2 * cb[4] + w3 * cb[5]
                ptz = 1.0 / zi
                uu = (w1 * ca[13] + w2 * ca[14] + w3 * ca[15]) * ptz
                vv = (w1 * cb[0] + w2 * cb[1] + w3 * cb[2]) * ptz
                upd = (inb & (w1 >= 0.0) & (w2 >= 0.0) & (a0 >= 0.0)
                       & (ptz > bs))
                return (jnp.where(upd, ptz, bs),
                        jnp.where(upd, uu, bu),
                        jnp.where(upd, vv, bv))

            bs, bu, bv = lax.fori_loop(
                0, T, body,
                (jnp.full((_L,), -jnp.inf, jnp.float32),
                 jnp.zeros((_L,), jnp.float32),
                 jnp.zeros((_L,), jnp.float32)))

            plsc.store_scatter(obuf, [iota * 3], bu)
            plsc.store_scatter(obuf, [iota * 3 + 1], bv)
            plsc.store_scatter(obuf, [iota * 3 + 2], bs)
            pltpu.sync_copy(obuf, out_hbm.at[pl.ds(wid * 3 * _L, 3 * _L)])

    return project


def kernel(vertices, points, faces, uv, uvfaces):
    T = faces.shape[0]
    P = points.shape[0]
    NV = vertices.shape[0]
    NU = uv.shape[0]

    t8 = -(-T // 8) * 8
    fbits = lax.bitcast_convert_type(faces.astype(jnp.int32), jnp.float32)
    ubits = lax.bitcast_convert_type(uvfaces.astype(jnp.int32), jnp.float32)
    packed = jnp.concatenate([
        vertices,
        jnp.pad(uv, ((0, 0), (0, 1))),
        jnp.pad(fbits, ((0, t8 - T), (0, 0))),
        jnp.pad(ubits, ((0, t8 - T), (0, 0))),
        jnp.pad(points, ((0, 0), (0, 1))),
    ], axis=0).reshape(-1)

    out = _make_project(T, P, NV, NU)(packed)
    return out.reshape(P, 3)

# --- scband reference (transcript-rebuilt; emitter-appended) ---
"""Pipeline reference for scband-project-32882269618283 (READ-ONLY COPY).

The authoritative reference and input builder live on the scoring server;
editing this copy changes nothing except your own understanding.
"""

import jax, jax.numpy as jnp
import numpy as np

SIZE = 512


def _area(a, b, c):
    # signed 2d triangle area (same convention used for orientation, subareas, cull)
    return 0.5 * ((b[..., 0] - a[..., 0]) * (c[..., 1] - a[..., 1])
                  - (b[..., 1] - a[..., 1]) * (c[..., 0] - a[..., 0]))


def setup_inputs(seed: int = 0):
    key = jax.random.key(seed)
    k1, k2 = jax.random.split(key)
    vertices = jax.random.uniform(k1, (32, 3), dtype=jnp.float32)
    points = jax.random.uniform(k2, (128, 2), dtype=jnp.float32)
    i = jnp.arange(30)
    faces = jnp.stack([i, i + 1, i + 2], axis=1).astype(jnp.int64)
    uvfaces = faces
    j = jnp.arange(32).astype(jnp.float32)
    uv = jnp.stack([j / 32.0, jnp.mod(j * 7.0, 32.0) / 32.0], axis=1).astype(jnp.float32)
    return {"vertices": vertices, "points": points, "faces": faces, "uv": uv, "uvfaces": uvfaces}


def _project(vertices, points, uv, faces, uvfaces):
    # cull: gather triangles, backface cull by 2d signed area, append uv/z * 1/z
    tris = vertices[faces]                      # [T,3,3]
    e1 = tris[:, 1, :2] - tris[:, 0, :2]
    e2 = tris[:, 2, :2] - tris[:, 0, :2]
    front = (e1[:, 0] * e2[:, 1] - e1[:, 1] * e2[:, 0]) > 0
    z_inv = 1.0 / tris[:, :, 2:3]               # [T,3,1]
    uvs = uv[uvfaces] * z_inv                   # [T,3,2]
    tri6 = jnp.concatenate([tris, uvs, z_inv], axis=2)  # [T,3,6]

    P = points.shape[0]
    default = jnp.array([0.0, 0.0, -jnp.inf], dtype=vertices.dtype)
    if tri6.shape[0] == 0:
        return jnp.tile(default[None], (P, 1))

    # pt_size: image space [0, size-1] -> projected space [-1, 1] (y flipped)
    p = jnp.stack([points[:, 0], SIZE - points[:, 1]], axis=1)
    p = p / (SIZE - 1) * 2 - 1                  # [P,2]

    A, B, C = tri6[:, 0, :2], tri6[:, 1, :2], tri6[:, 2, :2]
    w = _area(A, B, C)                          # [T]

    xmin = jnp.min(tri6[:, :, 0], axis=1); xmax = jnp.max(tri6[:, :, 0], axis=1)
    ymin = jnp.min(tri6[:, :, 1], axis=1); ymax = jnp.max(tri6[:, :, 1], axis=1)
    px, py = p[:, 0:1], p[:, 1:2]
    in_bb = (px >= xmin[None]) & (px <= xmax[None]) & (py >= ymin[None]) & (py <= ymax[None])

    pe = p[:, None, :]                          # [P,1,2]
    pAB = _area(pe, A[None], B[None])           # [P,T]  -> weight of C
    pCB = _area(pe, B[None], C[None])           # weight of A
    pCA = _area(pe, C[None], A[None])           # weight of B
    valid = front[None] & in_bb & (w[None] >= 1e-9) & (pAB >= 0) & (pCB >= 0) & (pCA >= 0)

    wsafe = jnp.where(w == 0, 1.0, w)[None]
    w1 = pCB / wsafe
    w2 = pCA / wsafe
    w3 = 1.0 - w1 - w2
    ptnd = (w1[..., None] * tri6[None, :, 0, :]
            + w2[..., None] * tri6[None, :, 1, :]
            + w3[..., None] * tri6[None, :, 2, :])   # [P,T,6]
    ptz = 1.0 / ptnd[..., 5]
    cand = jnp.stack([ptnd[..., 3] * ptz, ptnd[..., 4] * ptz, ptz], axis=-1)  # [P,T,3]

    score = jnp.where(valid, ptz, -jnp.inf)
    best = jnp.argmax(score, axis=1)            # max depth (1/z_inv), first on ties
    sel = cand[jnp.arange(P), best]             # [P,3]
    has = jnp.any(valid, axis=1)
    return jnp.where(has[:, None], sel, default[None])


def reference(vertices, points, faces, uv, uvfaces):
    return _project(vertices, points, uv, faces, uvfaces)

if __name__ == "__main__":
    import jax
    _d = setup_inputs()
    print(jax.jit(kernel)(*tuple(_d.values())))

</pallas_src>

<mosaic_0001>
#map = affine_map<(d0, d1) -> (0)>
module attributes {stable_mosaic.version = 14 : i64} {
  func.func @project(%arg0: i32, %arg1: i32, %arg2: memref<768xf32, #tpu.memory_space<hbm>>, %arg3: memref<384xf32, #tpu.memory_space<hbm>>, %arg4: memref<768xf32, #tpu.memory_space<vmem>>, %arg5: memref<1024xf32, #tpu.memory_space<vmem>>, %arg6: memref<48xf32, #tpu.memory_space<vmem>>, %arg7: memref<!tpu.dma_semaphore, #tpu.memory_space<semaphore_mem>>) attributes {dimension_semantics = [#tpu.dimension_semantics<core_parallel>, #tpu.dimension_semantics<subcore_parallel>], iteration_bounds = array<i64: 2, 16>, scalar_prefetch = 0 : i64, scratch_operands = 4 : i64, tpu.core_type = #tpu.core_type<sc_vector_subcore>, window_params = [{transform_indices = #map}, {transform_indices = #map}]} {
    %mul3A = arith.constant 2 : i32
    %mul3A_0 = arith.muli %arg1, %mul3A : i32
    %add3A = arith.addi %mul3A_0, %arg0 : i32
    %lt3A = arith.constant 8 : i32
    %lt3A_1 = arith.cmpi slt, %add3A, %lt3A : i32
    %convert_element_type3A = arith.extui %lt3A_1 : i1 to i32
    %cond3A = arith.constant 0 : i32
    %cond3A_2 = arith.cmpi ne, %convert_element_type3A, %cond3A : i32
    scf.if %cond3A_2 {
      tpu.enqueue_dma source(%arg2 : memref<768xf32, #tpu.memory_space<hbm>>) target(%arg4 : memref<768xf32, #tpu.memory_space<vmem>>) target_semaphore(%arg7 : memref<!tpu.dma_semaphore, #tpu.memory_space<semaphore_mem>>)
      tpu.wait_dma2 semaphore(%arg7 : memref<!tpu.dma_semaphore, #tpu.memory_space<semaphore_mem>>) src(%arg2 : memref<768xf32, #tpu.memory_space<hbm>>) dst(%arg4 : memref<768xf32, #tpu.memory_space<vmem>>)
      %iota3A = tpu.iota {dimensions = array<i32: 0>} : vector<16xi32>
      %scan3A = arith.constant 0 : i32
      %scan3A_3 = arith.constant 0 : i32
      %scan3A_4 = arith.constant 2 : i32
      %scan3A_5 = arith.addi %scan3A_3, %scan3A_4 : i32
      %scan3A_6 = arith.constant 1 : i32
      scf.for %scan3A_70 = %scan3A_3 to %scan3A_5 step %scan3A_6  : i32 {
        %mul3A_71 = arith.constant 16 : i32
        %mul3A_72 = arith.muli %scan3A_70, %mul3A_71 : i32
        %add3A_73 = vector.broadcast %mul3A_72 : i32 to vector<16xi32>
        %add3A_74 = arith.addi %iota3A, %add3A_73 : vector<16xi32>
        %min3A = arith.constant 29 : i32
        %min3A_75 = vector.broadcast %min3A : i32 to vector<16xi32>
        %min3A_76 = arith.minsi %add3A_74, %min3A_75 : vector<16xi32>
        %add3A_77 = arith.constant 64 : i32
        %add3A_78 = vector.broadcast %add3A_77 : i32 to vector<16xi32>
        %add3A_79 = arith.addi %min3A_76, %add3A_78 : vector<16xi32>
        %mul3A_80 = arith.constant 3 : i32
        %mul3A_81 = vector.broadcast %mul3A_80 : i32 to vector<16xi32>
        %mul3A_82 = arith.muli %add3A_79, %mul3A_81 : vector<16xi32>
        %add3A_83 = arith.constant 96 : i32
        %add3A_84 = vector.broadcast %add3A_83 : i32 to vector<16xi32>
        %add3A_85 = arith.addi %min3A_76, %add3A_84 : vector<16xi32>
        %mul3A_86 = arith.constant 3 : i32
        %mul3A_87 = vector.broadcast %mul3A_86 : i32 to vector<16xi32>
        %mul3A_88 = arith.muli %add3A_85, %mul3A_87 : vector<16xi32>
        %gather3A_89 = tpu.vector_load_idx %arg4[%mul3A_82] : memref<768xf32, #tpu.memory_space<vmem>>[vector<16xi32>], vector<16xf32>,
        %bitcast3A = vector.bitcast %gather3A_89 : vector<16xf32> to vector<16xi32>
        %add3A_90 = arith.constant 1 : i32
        %add3A_91 = vector.broadcast %add3A_90 : i32 to vector<16xi32>
        %add3A_92 = arith.addi %mul3A_82, %add3A_91 : vector<16xi32>
        %gather3A_93 = tpu.vector_load_idx %arg4[%add3A_92] : memref<768xf32, #tpu.memory_space<vmem>>[vector<16xi32>], vector<16xf32>,
        %bitcast3A_94 = vector.bitcast %gather3A_93 : vector<16xf32> to vector<16xi32>
        %add3A_95 = arith.constant 2 : i32
        %add3A_96 = vector.broadcast %add3A_95 : i32 to vector<16xi32>
        %add3A_97 = arith.addi %mul3A_82, %add3A_96 : vector<16xi32>
        %gather3A_98 = tpu.vector_load_idx %arg4[%add3A_97] : memref<768xf32, #tpu.memory_space<vmem>>[vector<16xi32>], vector<16xf32>,
        %bitcast3A_99 = vector.bitcast %gather3A_98 : vector<16xf32> to vector<16xi32>
        %gather3A_100 = tpu.vector_load_idx %arg4[%mul3A_88] : memref<768xf32, #tpu.memory_space<vmem>>[vector<16xi32>], vector<16xf32>,
        %bitcast3A_101 = vector.bitcast %gather3A_100 : vector<16xf32> to vector<16xi32>
        %add3A_102 = arith.constant 1 : i32
        %add3A_103 = vector.broadcast %add3A_102 : i32 to vector<16xi32>
        %add3A_104 = arith.addi %mul3A_88, %add3A_103 : vector<16xi32>
        %gather3A_105 = tpu.vector_load_idx %arg4[%add3A_104] : memref<768xf32, #tpu.memory_space<vmem>>[vector<16xi32>], vector<16xf32>,
        %bitcast3A_106 = vector.bitcast %gather3A_105 : vector<16xf32> to vector<16xi32>
        %add3A_107 = arith.constant 2 : i32
        %add3A_108 = vector.broadcast %add3A_107 : i32 to vector<16xi32>
        %add3A_109 = arith.addi %mul3A_88, %add3A_108 : vector<16xi32>
        %gather3A_110 = tpu.vector_load_idx %arg4[%add3A_109] : memref<768xf32, #tpu.memory_space<vmem>>[vector<16xi32>], vector<16xf32>,
        %bitcast3A_111 = vector.bitcast %gather3A_110 : vector<16xf32> to vector<16xi32>
        %mul3A_112 = arith.constant 3 : i32
        %mul3A_113 = vector.broadcast %mul3A_112 : i32 to vector<16xi32>
        %mul3A_114 = arith.muli %bitcast3A, %mul3A_113 : vector<16xi32>
        %gather3A_115 = tpu.vector_load_idx %arg4[%mul3A_114] : memref<768xf32, #tpu.memory_space<vmem>>[vector<16xi32>], vector<16xf32>,
        %mul3A_116 = arith.constant 3 : i32
        %mul3A_117 = vector.broadcast %mul3A_116 : i32 to vector<16xi32>
        %mul3A_118 = arith.muli %bitcast3A, %mul3A_117 : vector<16xi32>
        %add3A_119 = arith.constant 1 : i32
        %add3A_120 = vector.broadcast %add3A_119 : i32 to vector<16xi32>
        %add3A_121 = arith.addi %mul3A_118, %add3A_120 : vector<16xi32>
        %gather3A_122 = tpu.vector_load_idx %arg4[%add3A_121] : memref<768xf32, #tpu.memory_space<vmem>>[vector<16xi32>], vector<16xf32>,
        %mul3A_123 = arith.constant 3 : i32
        %mul3A_124 = vector.broadcast %mul3A_123 : i32 to vector<16xi32>
        %mul3A_125 = arith.muli %bitcast3A, %mul3A_124 : vector<16xi32>
        %add3A_126 = arith.constant 2 : i32
        %add3A_127 = vector.broadcast %add3A_126 : i32 to vector<16xi32>
        %add3A_128 = arith.addi %mul3A_125, %add3A_127 : vector<16xi32>
        %gather3A_129 = tpu.vector_load_idx %arg4[%add3A_128] : memref<768xf32, #tpu.memory_space<vmem>>[vector<16xi32>], vector<16xf32>,
        %mul3A_130 = arith.constant 3 : i32
        %mul3A_131 = vector.broadcast %mul3A_130 : i32 to vector<16xi32>
        %mul3A_132 = arith.muli %bitcast3A_94, %mul3A_131 : vector<16xi32>
        %gather3A_133 = tpu.vector_load_idx %arg4[%mul3A_132] : memref<768xf32, #tpu.memory_space<vmem>>[vector<16xi32>], vector<16xf32>,
        %mul3A_134 = arith.constant 3 : i32
        %mul3A_135 = vector.broadcast %mul3A_134 : i32 to vector<16xi32>
        %mul3A_136 = arith.muli %bitcast3A_94, %mul3A_135 : vector<16xi32>
        %add3A_137 = arith.constant 1 : i32
        %add3A_138 = vector.broadcast %add3A_137 : i32 to vector<16xi32>
        %add3A_139 = arith.addi %mul3A_136, %add3A_138 : vector<16xi32>
        %gather3A_140 = tpu.vector_load_idx %arg4[%add3A_139] : memref<768xf32, #tpu.memory_space<vmem>>[vector<16xi32>], vector<16xf32>,
        %mul3A_141 = arith.constant 3 : i32
        %mul3A_142 = vector.broadcast %mul3A_141 : i32 to vector<16xi32>
        %mul3A_143 = arith.muli %bitcast3A_94, %mul3A_142 : vector<16xi32>
        %add3A_144 = arith.constant 2 : i32
        %add3A_145 = vector.broadcast %add3A_144 : i32 to vector<16xi32>
        %add3A_146 = arith.addi %mul3A_143, %add3A_145 : vector<16xi32>
        %gather3A_147 = tpu.vector_load_idx %arg4[%add3A_146] : memref<768xf32, #tpu.memory_space<vmem>>[vector<16xi32>], vector<16xf32>,
        %mul3A_148 = arith.constant 3 : i32
        %mul3A_149 = vector.broadcast %mul3A_148 : i32 to vector<16xi32>
        %mul3A_150 = arith.muli %bitcast3A_99, %mul3A_149 : vector<16xi32>
        %gather3A_151 = tpu.vector_load_idx %arg4[%mul3A_150] : memref<768xf32, #tpu.memory_space<vmem>>[vector<16xi32>], vector<16xf32>,
        %mul3A_152 = arith.constant 3 : i32
        %mul3A_153 = vector.broadcast %mul3A_152 : i32 to vector<16xi32>
        %mul3A_154 = arith.muli %bitcast3A_99, %mul3A_153 : vector<16xi32>
        %add3A_155 = arith.constant 1 : i32
        %add3A_156 = vector.broadcast %add3A_155 : i32 to vector<16xi32>
        %add3A_157 = arith.addi %mul3A_154, %add3A_156 : vector<16xi32>
        %gather3A_158 = tpu.vector_load_idx %arg4[%add3A_157] : memref<768xf32, #tpu.memory_space<vmem>>[vector<16xi32>], vector<16xf32>,
        %mul3A_159 = arith.constant 3 : i32
        %mul3A_160 = vector.broadcast %mul3A_159 : i32 to vector<16xi32>
        %mul3A_161 = arith.muli %bitcast3A_99, %mul3A_160 : vector<16xi32>
        %add3A_162 = arith.constant 2 : i32
        %add3A_163 = vector.broadcast %add3A_162 : i32 to vector<16xi32>
        %add3A_164 = arith.addi %mul3A_161, %add3A_163 : vector<16xi32>
        %gather3A_165 = tpu.vector_load_idx %arg4[%add3A_164] : memref<768xf32, #tpu.memory_space<vmem>>[vector<16xi32>], vector<16xf32>,
        %add3A_166 = arith.constant 32 : i32
        %add3A_167 = vector.broadcast %add3A_166 : i32 to vector<16xi32>
        %add3A_168 = arith.addi %bitcast3A_101, %add3A_167 : vector<16xi32>
        %mul3A_169 = arith.constant 3 : i32
        %mul3A_170 = vector.broadcast %mul3A_169 : i32 to vector<16xi32>
        %mul3A_171 = arith.muli %add3A_168, %mul3A_170 : vector<16xi32>
        %gather3A_172 = tpu.vector_load_idx %arg4[%mul3A_171] : memref<768xf32, #tpu.memory_space<vmem>>[vector<16xi32>], vector<16xf32>,
        %add3A_173 = arith.constant 32 : i32
        %add3A_174 = vector.broadcast %add3A_173 : i32 to vector<16xi32>
        %add3A_175 = arith.addi %bitcast3A_101, %add3A_174 : vector<16xi32>
        %mul3A_176 = arith.constant 3 : i32
        %mul3A_177 = vector.broadcast %mul3A_176 : i32 to vector<16xi32>
        %mul3A_178 = arith.muli %add3A_175, %mul3A_177 : vector<16xi32>
        %add3A_179 = arith.constant 1 : i32
        %add3A_180 = vector.broadcast %add3A_179 : i32 to vector<16xi32>
        %add3A_181 = arith.addi %mul3A_178, %add3A_180 : vector<16xi32>
        %gather3A_182 = tpu.vector_load_idx %arg4[%add3A_181] : memref<768xf32, #tpu.memory_space<vmem>>[vector<16xi32>], vector<16xf32>,
        %add3A_183 = arith.constant 32 : i32
        %add3A_184 = vector.broadcast %add3A_183 : i32 to vector<16xi32>
        %add3A_185 = arith.addi %bitcast3A_106, %add3A_184 : vector<16xi32>
        %mul3A_186 = arith.constant 3 : i32
        %mul3A_187 = vector.broadcast %mul3A_186 : i32 to vector<16xi32>
        %mul3A_188 = arith.muli %add3A_185, %mul3A_187 : vector<16xi32>
        %gather3A_189 = tpu.vector_load_idx %arg4[%mul3A_188] : memref<768xf32, #tpu.memory_space<vmem>>[vector<16xi32>], vector<16xf32>,
        %add3A_190 = arith.constant 32 : i32
        %add3A_191 = vector.broadcast %add3A_190 : i32 to vector<16xi32>
        %add3A_192 = arith.addi %bitcast3A_106, %add3A_191 : vector<16xi32>
        %mul3A_193 = arith.constant 3 : i32
        %mul3A_194 = vector.broadcast %mul3A_193 : i32 to vector<16xi32>
        %mul3A_195 = arith.muli %add3A_192, %mul3A_194 : vector<16xi32>
        %add3A_196 = arith.constant 1 : i32
        %add3A_197 = vector.broadcast %add3A_196 : i32 to vector<16xi32>
        %add3A_198 = arith.addi %mul3A_195, %add3A_197 : vector<16xi32>
        %gather3A_199 = tpu.vector_load_idx %arg4[%add3A_198] : memref<768xf32, #tpu.memory_space<vmem>>[vector<16xi32>], vector<16xf32>,
        %add3A_200 = arith.constant 32 : i32
        %add3A_201 = vector.broadcast %add3A_200 : i32 to vector<16xi32>
        %add3A_202 = arith.addi %bitcast3A_111, %add3A_201 : vector<16xi32>
        %mul3A_203 = arith.constant 3 : i32
        %mul3A_204 = vector.broadcast %mul3A_203 : i32 to vector<16xi32>
        %mul3A_205 = arith.muli %add3A_202, %mul3A_204 : vector<16xi32>
        %gather3A_206 = tpu.vector_load_idx %arg4[%mul3A_205] : memref<768xf32, #tpu.memory_space<vmem>>[vector<16xi32>], vector<16xf32>,
        %add3A_207 = arith.constant 32 : i32
        %add3A_208 = vector.broadcast %add3A_207 : i32 to vector<16xi32>
        %add3A_209 = arith.addi %bitcast3A_111, %add3A_208 : vector<16xi32>
        %mul3A_210 = arith.constant 3 : i32
        %mul3A_211 = vector.broadcast %mul3A_210 : i32 to vector<16xi32>
        %mul3A_212 = arith.muli %add3A_209, %mul3A_211 : vector<16xi32>
        %add3A_213 = arith.constant 1 : i32
        %add3A_214 = vector.broadcast %add3A_213 : i32 to vector<16xi32>
        %add3A_215 = arith.addi %mul3A_212, %add3A_214 : vector<16xi32>
        %gather3A_216 = tpu.vector_load_idx %arg4[%add3A_215] : memref<768xf32, #tpu.memory_space<vmem>>[vector<16xi32>], vector<16xf32>,
        %sub3A_217 = arith.subf %gather3A_133, %gather3A_115 : vector<16xf32>
        %sub3A_218 = arith.subf %gather3A_158, %gather3A_122 : vector<16xf32>
        %mul3A_219 = arith.mulf %sub3A_217, %sub3A_218 : vector<16xf32>
        %sub3A_220 = arith.subf %gather3A_140, %gather3A_122 : vector<16xf32>
        %sub3A_221 = arith.subf %gather3A_151, %gather3A_115 : vector<16xf32>
        %mul3A_222 = arith.mulf %sub3A_220, %sub3A_221 : vector<16xf32>
        %sub3A_223 = arith.subf %mul3A_219, %mul3A_222 : vector<16xf32>
        %mul3A_224 = arith.constant 5.000000e-01 : f32
        %mul3A_225 = vector.broadcast %mul3A_224 : f32 to vector<16xf32>
        %mul3A_226 = arith.mulf %mul3A_225, %sub3A_223 : vector<16xf32>
        %gt3A = arith.constant 0.000000e+00 : f32
        %gt3A_227 = vector.broadcast %gt3A : f32 to vector<16xf32>
        %gt3A_228 = arith.cmpf ogt, %sub3A_223, %gt3A_227 : vector<16xf32>
        %ge3A = arith.constant 9.99999971E-10 : f32
        %ge3A_229 = vector.broadcast %ge3A : f32 to vector<16xf32>
        %ge3A_230 = arith.cmpf oge, %mul3A_226, %ge3A_229 : vector<16xf32>
        %and3A = arith.andi %gt3A_228, %ge3A_230 : vector<16xi1>
        %eq3A = arith.constant 0.000000e+00 : f32
        %eq3A_231 = vector.broadcast %eq3A : f32 to vector<16xf32>
        %eq3A_232 = arith.cmpf oeq, %mul3A_226, %eq3A_231 : vector<16xf32>
        %jit3A = arith.constant 1.000000e+00 : f32
        %broadcast_in_dim3A_233 = vector.broadcast %jit3A : f32 to vector<16xf32>
        %select_n3A = arith.select %eq3A_232, %broadcast_in_dim3A_233, %mul3A_226 : vector<16xi1>, vector<16xf32>
        %div3A_234 = arith.constant 5.000000e-01 : f32
        %div3A_235 = vector.broadcast %div3A_234 : f32 to vector<16xf32>
        %div3A_236 = arith.divf %div3A_235, %select_n3A : vector<16xf32>
        %mul3A_237 = arith.mulf %gather3A_133, %gather3A_158 : vector<16xf32>
        %mul3A_238 = arith.mulf %gather3A_140, %gather3A_151 : vector<16xf32>
        %sub3A_239 = arith.subf %mul3A_237, %mul3A_238 : vector<16xf32>
        %mul3A_240 = arith.mulf %sub3A_239, %div3A_236 : vector<16xf32>
        %sub3A_241 = arith.subf %gather3A_140, %gather3A_158 : vector<16xf32>
        %mul3A_242 = arith.mulf %sub3A_241, %div3A_236 : vector<16xf32>
        %sub3A_243 = arith.subf %gather3A_151, %gather3A_133 : vector<16xf32>
        %mul3A_244 = arith.mulf %sub3A_243, %div3A_236 : vector<16xf32>
        %mul3A_245 = arith.mulf %gather3A_151, %gather3A_122 : vector<16xf32>
        %mul3A_246 = arith.mulf %gather3A_158, %gather3A_115 : vector<16xf32>
        %sub3A_247 = arith.subf %mul3A_245, %mul3A_246 : vector<16xf32>
        %mul3A_248 = arith.mulf %sub3A_247, %div3A_236 : vector<16xf32>
        %sub3A_249 = arith.subf %gather3A_158, %gather3A_122 : vector<16xf32>
        %mul3A_250 = arith.mulf %sub3A_249, %div3A_236 : vector<16xf32>
        %sub3A_251 = arith.subf %gather3A_115, %gather3A_151 : vector<16xf32>
        %mul3A_252 = arith.mulf %sub3A_251, %div3A_236 : vector<16xf32>
        %mul3A_253 = arith.mulf %gather3A_115, %gather3A_140 : vector<16xf32>
        %mul3A_254 = arith.mulf %gather3A_122, %gather3A_133 : vector<16xf32>
        %sub3A_255 = arith.subf %mul3A_253, %mul3A_254 : vector<16xf32>
        %mul3A_256 = arith.mulf %sub3A_255, %div3A_236 : vector<16xf32>
        %sub3A_257 = arith.subf %gather3A_122, %gather3A_140 : vector<16xf32>
        %mul3A_258 = arith.mulf %sub3A_257, %div3A_236 : vector<16xf32>
        %sub3A_259 = arith.subf %gather3A_133, %gather3A_115 : vector<16xf32>
        %mul3A_260 = arith.mulf %sub3A_259, %div3A_236 : vector<16xf32>
        %min3A_261 = arith.minimumf %gather3A_115, %gather3A_133 : vector<16xf32>
        %min3A_262 = arith.minimumf %min3A_261, %gather3A_151 : vector<16xf32>
        %jit3A_263 = arith.constant 0x7F800000 : f32
        %broadcast_in_dim3A_264 = vector.broadcast %jit3A_263 : f32 to vector<16xf32>
        %select_n3A_265 = arith.select %and3A, %min3A_262, %broadcast_in_dim3A_264 : vector<16xi1>, vector<16xf32>
        %max3A = arith.maximumf %gather3A_115, %gather3A_133 : vector<16xf32>
        %max3A_266 = arith.maximumf %max3A, %gather3A_151 : vector<16xf32>
        %neg3A = arith.constant 0.000000e+00 : f32
        %neg3A_267 = arith.constant 0x7F800000 : f32
        %neg3A_268 = arith.subf %neg3A, %neg3A_267 : f32
        %broadcast_in_dim3A_269 = vector.broadcast %neg3A_268 : f32 to vector<16xf32>
        %select_n3A_270 = arith.select %and3A, %max3A_266, %broadcast_in_dim3A_269 : vector<16xi1>, vector<16xf32>
        %min3A_271 = arith.minimumf %gather3A_122, %gather3A_140 : vector<16xf32>
        %min3A_272 = arith.minimumf %min3A_271, %gather3A_158 : vector<16xf32>
        %max3A_273 = arith.maximumf %gather3A_122, %gather3A_140 : vector<16xf32>
        %max3A_274 = arith.maximumf %max3A_273, %gather3A_158 : vector<16xf32>
        %div3A_275 = arith.constant 1.000000e+00 : f32
        %div3A_276 = vector.broadcast %div3A_275 : f32 to vector<16xf32>
        %div3A_277 = arith.divf %div3A_276, %gather3A_129 : vector<16xf32>
        %div3A_278 = arith.constant 1.000000e+00 : f32
        %div3A_279 = vector.broadcast %div3A_278 : f32 to vector<16xf32>
        %div3A_280 = arith.divf %div3A_279, %gather3A_147 : vector<16xf32>
        %div3A_281 = arith.constant 1.000000e+00 : f32
        %div3A_282 = vector.broadcast %div3A_281 : f32 to vector<16xf32>
        %div3A_283 = arith.divf %div3A_282, %gather3A_165 : vector<16xf32>
        %mul3A_284 = arith.mulf %gather3A_172, %div3A_277 : vector<16xf32>
        %mul3A_285 = arith.mulf %gather3A_189, %div3A_280 : vector<16xf32>
        %mul3A_286 = arith.mulf %gather3A_206, %div3A_283 : vector<16xf32>
        %mul3A_287 = arith.mulf %gather3A_182, %div3A_277 : vector<16xf32>
        %mul3A_288 = arith.mulf %gather3A_199, %div3A_280 : vector<16xf32>
        %mul3A_289 = arith.mulf %gather3A_216, %div3A_283 : vector<16xf32>
        %mul3A_290 = arith.constant 32 : i32
        %mul3A_291 = vector.broadcast %mul3A_290 : i32 to vector<16xi32>
        %mul3A_292 = arith.muli %add3A_74, %mul3A_291 : vector<16xi32>
        %add3A_293 = arith.constant 0 : i32
        %add3A_294 = vector.broadcast %add3A_293 : i32 to vector<16xi32>
        %add3A_295 = arith.addi %mul3A_292, %add3A_294 : vector<16xi32>
        tpu.vector_store_idx %arg5[%add3A_295], %select_n3A_265 : memref<1024xf32, #tpu.memory_space<vmem>>[vector<16xi32>], vector<16xf32>,
        %mul3A_296 = arith.constant 32 : i32
        %mul3A_297 = vector.broadcast %mul3A_296 : i32 to vector<16xi32>
        %mul3A_298 = arith.muli %add3A_74, %mul3A_297 : vector<16xi32>
        %add3A_299 = arith.constant 1 : i32
        %add3A_300 = vector.broadcast %add3A_299 : i32 to vector<16xi32>
        %add3A_301 = arith.addi %mul3A_298, %add3A_300 : vector<16xi32>
        tpu.vector_store_idx %arg5[%add3A_301], %select_n3A_270 : memref<1024xf32, #tpu.memory_space<vmem>>[vector<16xi32>], vector<16xf32>,
        %mul3A_302 = arith.constant 32 : i32
        %mul3A_303 = vector.broadcast %mul3A_302 : i32 to vector<16xi32>
        %mul3A_304 = arith.muli %add3A_74, %mul3A_303 : vector<16xi32>
        %add3A_305 = arith.constant 2 : i32
        %add3A_306 = vector.broadcast %add3A_305 : i32 to vector<16xi32>
        %add3A_307 = arith.addi %mul3A_304, %add3A_306 : vector<16xi32>
        tpu.vector_store_idx %arg5[%add3A_307], %min3A_272 : memref<1024xf32, #tpu.memory_space<vmem>>[vector<16xi32>], vector<16xf32>,
        %mul3A_308 = arith.constant 32 : i32
        %mul3A_309 = vector.broadcast %mul3A_308 : i32 to vector<16xi32>
        %mul3A_310 = arith.muli %add3A_74, %mul3A_309 : vector<16xi32>
        %add3A_311 = arith.constant 3 : i32
        %add3A_312 = vector.broadcast %add3A_311 : i32 to vector<16xi32>
        %add3A_313 = arith.addi %mul3A_310, %add3A_312 : vector<16xi32>
        tpu.vector_store_idx %arg5[%add3A_313], %max3A_274 : memref<1024xf32, #tpu.memory_space<vmem>>[vector<16xi32>], vector<16xf32>,
        %mul3A_314 = arith.constant 32 : i32
        %mul3A_315 = vector.broadcast %mul3A_314 : i32 to vector<16xi32>
        %mul3A_316 = arith.muli %add3A_74, %mul3A_315 : vector<16xi32>
        %add3A_317 = arith.constant 4 : i32
        %add3A_318 = vector.broadcast %add3A_317 : i32 to vector<16xi32>
        %add3A_319 = arith.addi %mul3A_316, %add3A_318 : vector<16xi32>
        tpu.vector_store_idx %arg5[%add3A_319], %mul3A_240 : memref<1024xf32, #tpu.memory_space<vmem>>[vector<16xi32>], vector<16xf32>,
        %mul3A_320 = arith.constant 32 : i32
        %mul3A_321 = vector.broadcast %mul3A_320 : i32 to vector<16xi32>
        %mul3A_322 = arith.muli %add3A_74, %mul3A_321 : vector<16xi32>
        %add3A_323 = arith.constant 5 : i32
        %add3A_324 = vector.broadcast %add3A_323 : i32 to vector<16xi32>
        %add3A_325 = arith.addi %mul3A_322, %add3A_324 : vector<16xi32>
        tpu.vector_store_idx %arg5[%add3A_325], %mul3A_242 : memref<1024xf32, #tpu.memory_space<vmem>>[vector<16xi32>], vector<16xf32>,
        %mul3A_326 = arith.constant 32 : i32
        %mul3A_327 = vector.broadcast %mul3A_326 : i32 to vector<16xi32>
        %mul3A_328 = arith.muli %add3A_74, %mul3A_327 : vector<16xi32>
        %add3A_329 = arith.constant 6 : i32
        %add3A_330 = vector.broadcast %add3A_329 : i32 to vector<16xi32>
        %add3A_331 = arith.addi %mul3A_328, %add3A_330 : vector<16xi32>
        tpu.vector_store_idx %arg5[%add3A_331], %mul3A_244 : memref<1024xf32, #tpu.memory_space<vmem>>[vector<16xi32>], vector<16xf32>,
        %mul3A_332 = arith.constant 32 : i32
        %mul3A_333 = vector.broadcast %mul3A_332 : i32 to vector<16xi32>
        %mul3A_334 = arith.muli %add3A_74, %mul3A_333 : vector<16xi32>
        %add3A_335 = arith.constant 7 : i32
        %add3A_336 = vector.broadcast %add3A_335 : i32 to vector<16xi32>
        %add3A_337 = arith.addi %mul3A_334, %add3A_336 : vector<16xi32>
        tpu.vector_store_idx %arg5[%add3A_337], %mul3A_248 : memref<1024xf32, #tpu.memory_space<vmem>>[vector<16xi32>], vector<16xf32>,
        %mul3A_338 = arith.constant 32 : i32
        %mul3A_339 = vector.broadcast %mul3A_338 : i32 to vector<16xi32>
        %mul3A_340 = arith.muli %add3A_74, %mul3A_339 : vector<16xi32>
        %add3A_341 = arith.constant 8 : i32
        %add3A_342 = vector.broadcast %add3A_341 : i32 to vector<16xi32>
        %add3A_343 = arith.addi %mul3A_340, %add3A_342 : vector<16xi32>
        tpu.vector_store_idx %arg5[%add3A_343], %mul3A_250 : memref<1024xf32, #tpu.memory_space<vmem>>[vector<16xi32>], vector<16xf32>,
        %mul3A_344 = arith.constant 32 : i32
        %mul3A_345 = vector.broadcast %mul3A_344 : i32 to vector<16xi32>
        %mul3A_346 = arith.muli %add3A_74, %mul3A_345 : vector<16xi32>
        %add3A_347 = arith.constant 9 : i32
        %add3A_348 = vector.broadcast %add3A_347 : i32 to vector<16xi32>
        %add3A_349 = arith.addi %mul3A_346, %add3A_348 : vector<16xi32>
        tpu.vector_store_idx %arg5[%add3A_349], %mul3A_252 : memref<1024xf32, #tpu.memory_space<vmem>>[vector<16xi32>], vector<16xf32>,
        %mul3A_350 = arith.constant 32 : i32
        %mul3A_351 = vector.broadcast %mul3A_350 : i32 to vector<16xi32>
        %mul3A_352 = arith.muli %add3A_74, %mul3A_351 : vector<16xi32>
        %add3A_353 = arith.constant 10 : i32
        %add3A_354 = vector.broadcast %add3A_353 : i32 to vector<16xi32>
        %add3A_355 = arith.addi %mul3A_352, %add3A_354 : vector<16xi32>
        tpu.vector_store_idx %arg5[%add3A_355], %mul3A_256 : memref<1024xf32, #tpu.memory_space<vmem>>[vector<16xi32>], vector<16xf32>,
        %mul3A_356 = arith.constant 32 : i32
        %mul3A_357 = vector.broadcast %mul3A_356 : i32 to vector<16xi32>
        %mul3A_358 = arith.muli %add3A_74, %mul3A_357 : vector<16xi32>
        %add3A_359 = arith.constant 11 : i32
        %add3A_360 = vector.broadcast %add3A_359 : i32 to vector<16xi32>
        %add3A_361 = arith.addi %mul3A_358, %add3A_360 : vector<16xi32>
        tpu.vector_store_idx %arg5[%add3A_361], %mul3A_258 : memref<1024xf32, #tpu.memory_space<vmem>>[vector<16xi32>], vector<16xf32>,
        %mul3A_362 = arith.constant 32 : i32
        %mul3A_363 = vector.broadcast %mul3A_362 : i32 to vector<16xi32>
        %mul3A_364 = arith.muli %add3A_74, %mul3A_363 : vector<16xi32>
        %add3A_365 = arith.constant 12 : i32
        %add3A_366 = vector.broadcast %add3A_365 : i32 to vector<16xi32>
        %add3A_367 = arith.addi %mul3A_364, %add3A_366 : vector<16xi32>
        tpu.vector_store_idx %arg5[%add3A_367], %mul3A_260 : memref<1024xf32, #tpu.memory_space<vmem>>[vector<16xi32>], vector<16xf32>,
        %mul3A_368 = arith.constant 32 : i32
        %mul3A_369 = vector.broadcast %mul3A_368 : i32 to vector<16xi32>
        %mul3A_370 = arith.muli %add3A_74, %mul3A_369 : vector<16xi32>
        %add3A_371 = arith.constant 13 : i32
        %add3A_372 = vector.broadcast %add3A_371 : i32 to vector<16xi32>
        %add3A_373 = arith.addi %mul3A_370, %add3A_372 : vector<16xi32>
        tpu.vector_store_idx %arg5[%add3A_373], %mul3A_284 : memref<1024xf32, #tpu.memory_space<vmem>>[vector<16xi32>], vector<16xf32>,
        %mul3A_374 = arith.constant 32 : i32
        %mul3A_375 = vector.broadcast %mul3A_374 : i32 to vector<16xi32>
        %mul3A_376 = arith.muli %add3A_74, %mul3A_375 : vector<16xi32>
        %add3A_377 = arith.constant 14 : i32
        %add3A_378 = vector.broadcast %add3A_377 : i32 to vector<16xi32>
        %add3A_379 = arith.addi %mul3A_376, %add3A_378 : vector<16xi32>
        tpu.vector_store_idx %arg5[%add3A_379], %mul3A_285 : memref<1024xf32, #tpu.memory_space<vmem>>[vector<16xi32>], vector<16xf32>,
        %mul3A_380 = arith.constant 32 : i32
        %mul3A_381 = vector.broadcast %mul3A_380 : i32 to vector<16xi32>
        %mul3A_382 = arith.muli %add3A_74, %mul3A_381 : vector<16xi32>
        %add3A_383 = arith.constant 15 : i32
        %add3A_384 = vector.broadcast %add3A_383 : i32 to vector<16xi32>
        %add3A_385 = arith.addi %mul3A_382, %add3A_384 : vector<16xi32>
        tpu.vector_store_idx %arg5[%add3A_385], %mul3A_286 : memref<1024xf32, #tpu.memory_space<vmem>>[vector<16xi32>], vector<16xf32>,
        %mul3A_386 = arith.constant 32 : i32
        %mul3A_387 = vector.broadcast %mul3A_386 : i32 to vector<16xi32>
        %mul3A_388 = arith.muli %add3A_74, %mul3A_387 : vector<16xi32>
        %add3A_389 = arith.constant 16 : i32
        %add3A_390 = vector.broadcast %add3A_389 : i32 to vector<16xi32>
        %add3A_391 = arith.addi %mul3A_388, %add3A_390 : vector<16xi32>
        tpu.vector_store_idx %arg5[%add3A_391], %mul3A_287 : memref<1024xf32, #tpu.memory_space<vmem>>[vector<16xi32>], vector<16xf32>,
        %mul3A_392 = arith.constant 32 : i32
        %mul3A_393 = vector.broadcast %mul3A_392 : i32 to vector<16xi32>
        %mul3A_394 = arith.muli %add3A_74, %mul3A_393 : vector<16xi32>
        %add3A_395 = arith.constant 17 : i32
        %add3A_396 = vector.broadcast %add3A_395 : i32 to vector<16xi32>
        %add3A_397 = arith.addi %mul3A_394, %add3A_396 : vector<16xi32>
        tpu.vector_store_idx %arg5[%add3A_397], %mul3A_288 : memref<1024xf32, #tpu.memory_space<vmem>>[vector<16xi32>], vector<16xf32>,
        %mul3A_398 = arith.constant 32 : i32
        %mul3A_399 = vector.broadcast %mul3A_398 : i32 to vector<16xi32>
        %mul3A_400 = arith.muli %add3A_74, %mul3A_399 : vector<16xi32>
        %add3A_401 = arith.constant 18 : i32
        %add3A_402 = vector.broadcast %add3A_401 : i32 to vector<16xi32>
        %add3A_403 = arith.addi %mul3A_400, %add3A_402 : vector<16xi32>
        tpu.vector_store_idx %arg5[%add3A_403], %mul3A_289 : memref<1024xf32, #tpu.memory_space<vmem>>[vector<16xi32>], vector<16xf32>,
        %mul3A_404 = arith.constant 32 : i32
        %mul3A_405 = vector.broadcast %mul3A_404 : i32 to vector<16xi32>
        %mul3A_406 = arith.muli %add3A_74, %mul3A_405 : vector<16xi32>
        %add3A_407 = arith.constant 19 : i32
        %add3A_408 = vector.broadcast %add3A_407 : i32 to vector<16xi32>
        %add3A_409 = arith.addi %mul3A_406, %add3A_408 : vector<16xi32>
        tpu.vector_store_idx %arg5[%add3A_409], %div3A_277 : memref<1024xf32, #tpu.memory_space<vmem>>[vector<16xi32>], vector<16xf32>,
        %mul3A_410 = arith.constant 32 : i32
        %mul3A_411 = vector.broadcast %mul3A_410 : i32 to vector<16xi32>
        %mul3A_412 = arith.muli %add3A_74, %mul3A_411 : vector<16xi32>
        %add3A_413 = arith.constant 20 : i32
        %add3A_414 = vector.broadcast %add3A_413 : i32 to vector<16xi32>
        %add3A_415 = arith.addi %mul3A_412, %add3A_414 : vector<16xi32>
        tpu.vector_store_idx %arg5[%add3A_415], %div3A_280 : memref<1024xf32, #tpu.memory_space<vmem>>[vector<16xi32>], vector<16xf32>,
        %mul3A_416 = arith.constant 32 : i32
        %mul3A_417 = vector.broadcast %mul3A_416 : i32 to vector<16xi32>
        %mul3A_418 = arith.muli %add3A_74, %mul3A_417 : vector<16xi32>
        %add3A_419 = arith.constant 21 : i32
        %add3A_420 = vector.broadcast %add3A_419 : i32 to vector<16xi32>
        %add3A_421 = arith.addi %mul3A_418, %add3A_420 : vector<16xi32>
        tpu.vector_store_idx %arg5[%add3A_421], %div3A_283 : memref<1024xf32, #tpu.memory_space<vmem>>[vector<16xi32>], vector<16xf32>,
      }
      %scan3A_7 = arith.constant 2 : i32
      %mul3A_8 = arith.constant 16 : i32
      %mul3A_9 = arith.muli %add3A, %mul3A_8 : i32
      %add3A_10 = arith.constant 128 : i32
      %add3A_11 = arith.addi %mul3A_9, %add3A_10 : i32
      %add3A_12 = vector.broadcast %add3A_11 : i32 to vector<16xi32>
      %add3A_13 = arith.addi %iota3A, %add3A_12 : vector<16xi32>
      %mul3A_14 = arith.constant 3 : i32
      %mul3A_15 = vector.broadcast %mul3A_14 : i32 to vector<16xi32>
      %mul3A_16 = arith.muli %add3A_13, %mul3A_15 : vector<16xi32>
      %gather3A = tpu.vector_load_idx %arg4[%mul3A_16] : memref<768xf32, #tpu.memory_space<vmem>>[vector<16xi32>], vector<16xf32>,
      %add3A_17 = arith.constant 1 : i32
      %add3A_18 = vector.broadcast %add3A_17 : i32 to vector<16xi32>
      %add3A_19 = arith.addi %mul3A_16, %add3A_18 : vector<16xi32>
      %gather3A_20 = tpu.vector_load_idx %arg4[%add3A_19] : memref<768xf32, #tpu.memory_space<vmem>>[vector<16xi32>], vector<16xf32>,
      %div3A = arith.constant 5.110000e+02 : f32
      %div3A_21 = vector.broadcast %div3A : f32 to vector<16xf32>
      %div3A_22 = arith.divf %gather3A, %div3A_21 : vector<16xf32>
      %mul3A_23 = arith.constant 2.000000e+00 : f32
      %mul3A_24 = vector.broadcast %mul3A_23 : f32 to vector<16xf32>
      %mul3A_25 = arith.mulf %div3A_22, %mul3A_24 : vector<16xf32>
      %sub3A = arith.constant 1.000000e+00 : f32
      %sub3A_26 = vector.broadcast %sub3A : f32 to vector<16xf32>
      %sub3A_27 = arith.subf %mul3A_25, %sub3A_26 : vector<16xf32>
      %sub3A_28 = arith.constant 5.120000e+02 : f32
      %sub3A_29 = vector.broadcast %sub3A_28 : f32 to vector<16xf32>
      %sub3A_30 = arith.subf %sub3A_29, %gather3A_20 : vector<16xf32>
      %div3A_31 = arith.constant 5.110000e+02 : f32
      %div3A_32 = vector.broadcast %div3A_31 : f32 to vector<16xf32>
      %div3A_33 = arith.divf %sub3A_30, %div3A_32 : vector<16xf32>
      %mul3A_34 = arith.constant 2.000000e+00 : f32
      %mul3A_35 = vector.broadcast %mul3A_34 : f32 to vector<16xf32>
      %mul3A_36 = arith.mulf %div3A_33, %mul3A_35 : vector<16xf32>
      %sub3A_37 = arith.constant 1.000000e+00 : f32
      %sub3A_38 = vector.broadcast %sub3A_37 : f32 to vector<16xf32>
      %sub3A_39 = arith.subf %mul3A_36, %sub3A_38 : vector<16xf32>
      %broadcast_in_dim3A = arith.constant 0xFF800000 : f32
      %broadcast_in_dim3A_40 = vector.broadcast %broadcast_in_dim3A : f32 to vector<16xf32>
      %broadcast_in_dim3A_41 = arith.constant 0.000000e+00 : f32
      %broadcast_in_dim3A_42 = vector.broadcast %broadcast_in_dim3A_41 : f32 to vector<16xf32>
      %broadcast_in_dim3A_43 = arith.constant 0.000000e+00 : f32
      %broadcast_in_dim3A_44 = vector.broadcast %broadcast_in_dim3A_43 : f32 to vector<16xf32>
      %scan3A_45 = arith.constant 0 : i32
      %scan3A_46 = arith.constant 30 : i32
      %scan3A_47 = arith.addi %scan3A_45, %scan3A_46 : i32
      %scan3A_48 = arith.constant 1 : i32
      %scan3A_49:3 = scf.for %scan3A_70 = %scan3A_45 to %scan3A_47 step %scan3A_48 iter_args(%scan3A_71 = %broadcast_in_dim3A_40, %scan3A_72 = %broadcast_in_dim3A_42, %scan3A_73 = %broadcast_in_dim3A_44) -> (vector<16xf32>, vector<16xf32>, vector<16xf32>)  : i32 {
        %mul3A_74 = arith.constant 32 : i32
        %mul3A_75 = arith.muli %scan3A_70, %mul3A_74 : i32
        %get3A = arith.index_cast %mul3A_75 : i32 to index
        %get3A_76 = tpu.vector_load %arg5[%get3A] {strides = array<i32>} : memref<1024xf32, #tpu.memory_space<vmem>>, vector<16xf32>,
        %mul3A_77 = arith.constant 32 : i32
        %mul3A_78 = arith.muli %scan3A_70, %mul3A_77 : i32
        %add3A_79 = arith.constant 16 : i32
        %add3A_80 = arith.addi %mul3A_78, %add3A_79 : i32
        %get3A_81 = arith.index_cast %add3A_80 : i32 to index
        %get3A_82 = tpu.vector_load %arg5[%get3A_81] {strides = array<i32>} : memref<1024xf32, #tpu.memory_space<vmem>>, vector<16xf32>,
        %slice3A = vector.extract_strided_slice %get3A_76 {offsets = [0], sizes = [1], strides = [1]} : vector<16xf32> to vector<1xf32>
        %squeeze3A = vector.extract %slice3A[0] : f32 from vector<1xf32>
        %ge3A = vector.broadcast %squeeze3A : f32 to vector<16xf32>
        %ge3A_83 = arith.cmpf oge, %sub3A_27, %ge3A : vector<16xf32>
        %slice3A_84 = vector.extract_strided_slice %get3A_76 {offsets = [1], sizes = [1], strides = [1]} : vector<16xf32> to vector<1xf32>
        %squeeze3A_85 = vector.extract %slice3A_84[0] : f32 from vector<1xf32>
        %le3A = vector.broadcast %squeeze3A_85 : f32 to vector<16xf32>
        %le3A_86 = arith.cmpf ole, %sub3A_27, %le3A : vector<16xf32>
        %and3A = arith.andi %ge3A_83, %le3A_86 : vector<16xi1>
        %slice3A_87 = vector.extract_strided_slice %get3A_76 {offsets = [2], sizes = [1], strides = [1]} : vector<16xf32> to vector<1xf32>
        %squeeze3A_88 = vector.extract %slice3A_87[0] : f32 from vector<1xf32>
        %ge3A_89 = vector.broadcast %squeeze3A_88 : f32 to vector<16xf32>
        %ge3A_90 = arith.cmpf oge, %sub3A_39, %ge3A_89 : vector<16xf32>
        %and3A_91 = arith.andi %and3A, %ge3A_90 : vector<16xi1>
        %slice3A_92 = vector.extract_strided_slice %get3A_76 {offsets = [3], sizes = [1], strides = [1]} : vector<16xf32> to vector<1xf32>
        %squeeze3A_93 = vector.extract %slice3A_92[0] : f32 from vector<1xf32>
        %le3A_94 = vector.broadcast %squeeze3A_93 : f32 to vector<16xf32>
        %le3A_95 = arith.cmpf ole, %sub3A_39, %le3A_94 : vector<16xf32>
        %and3A_96 = arith.andi %and3A_91, %le3A_95 : vector<16xi1>
        %slice3A_97 = vector.extract_strided_slice %get3A_76 {offsets = [4], sizes = [1], strides = [1]} : vector<16xf32> to vector<1xf32>
        %squeeze3A_98 = vector.extract %slice3A_97[0] : f32 from vector<1xf32>
        %slice3A_99 = vector.extract_strided_slice %get3A_76 {offsets = [5], sizes = [1], strides = [1]} : vector<16xf32> to vector<1xf32>
        %squeeze3A_100 = vector.extract %slice3A_99[0] : f32 from vector<1xf32>
        %mul3A_101 = vector.broadcast %squeeze3A_100 : f32 to vector<16xf32>
        %mul3A_102 = arith.mulf %mul3A_101, %sub3A_27 : vector<16xf32>
        %add3A_103 = vector.broadcast %squeeze3A_98 : f32 to vector<16xf32>
        %add3A_104 = arith.addf %add3A_103, %mul3A_102 : vector<16xf32>
        %slice3A_105 = vector.extract_strided_slice %get3A_76 {offsets = [6], sizes = [1], strides = [1]} : vector<16xf32> to vector<1xf32>
        %squeeze3A_106 = vector.extract %slice3A_105[0] : f32 from vector<1xf32>
        %mul3A_107 = vector.broadcast %squeeze3A_106 : f32 to vector<16xf32>
        %mul3A_108 = arith.mulf %mul3A_107, %sub3A_39 : vector<16xf32>
        %add3A_109 = arith.addf %add3A_104, %mul3A_108 : vector<16xf32>
        %slice3A_110 = vector.extract_strided_slice %get3A_76 {offsets = [7], sizes = [1], strides = [1]} : vector<16xf32> to vector<1xf32>
        %squeeze3A_111 = vector.extract %slice3A_110[0] : f32 from vector<1xf32>
        %slice3A_112 = vector.extract_strided_slice %get3A_76 {offsets = [8], sizes = [1], strides = [1]} : vector<16xf32> to vector<1xf32>
        %squeeze3A_113 = vector.extract %slice3A_112[0] : f32 from vector<1xf32>
        %mul3A_114 = vector.broadcast %squeeze3A_113 : f32 to vector<16xf32>
        %mul3A_115 = arith.mulf %mul3A_114, %sub3A_27 : vector<16xf32>
        %add3A_116 = vector.broadcast %squeeze3A_111 : f32 to vector<16xf32>
        %add3A_117 = arith.addf %add3A_116, %mul3A_115 : vector<16xf32>
        %slice3A_118 = vector.extract_strided_slice %get3A_76 {offsets = [9], sizes = [1], strides = [1]} : vector<16xf32> to vector<1xf32>
        %squeeze3A_119 = vector.extract %slice3A_118[0] : f32 from vector<1xf32>
        %mul3A_120 = vector.broadcast %squeeze3A_119 : f32 to vector<16xf32>
        %mul3A_121 = arith.mulf %mul3A_120, %sub3A_39 : vector<16xf32>
        %add3A_122 = arith.addf %add3A_117, %mul3A_121 : vector<16xf32>
        %slice3A_123 = vector.extract_strided_slice %get3A_76 {offsets = [10], sizes = [1], strides = [1]} : vector<16xf32> to vector<1xf32>
        %squeeze3A_124 = vector.extract %slice3A_123[0] : f32 from vector<1xf32>
        %slice3A_125 = vector.extract_strided_slice %get3A_76 {offsets = [11], sizes = [1], strides = [1]} : vector<16xf32> to vector<1xf32>
        %squeeze3A_126 = vector.extract %slice3A_125[0] : f32 from vector<1xf32>
        %mul3A_127 = vector.broadcast %squeeze3A_126 : f32 to vector<16xf32>
        %mul3A_128 = arith.mulf %mul3A_127, %sub3A_27 : vector<16xf32>
        %add3A_129 = vector.broadcast %squeeze3A_124 : f32 to vector<16xf32>
        %add3A_130 = arith.addf %add3A_129, %mul3A_128 : vector<16xf32>
        %slice3A_131 = vector.extract_strided_slice %get3A_76 {offsets = [12], sizes = [1], strides = [1]} : vector<16xf32> to vector<1xf32>
        %squeeze3A_132 = vector.extract %slice3A_131[0] : f32 from vector<1xf32>
        %mul3A_133 = vector.broadcast %squeeze3A_132 : f32 to vector<16xf32>
        %mul3A_134 = arith.mulf %mul3A_133, %sub3A_39 : vector<16xf32>
        %add3A_135 = arith.addf %add3A_130, %mul3A_134 : vector<16xf32>
        %sub3A_136 = arith.constant 1.000000e+00 : f32
        %sub3A_137 = vector.broadcast %sub3A_136 : f32 to vector<16xf32>
        %sub3A_138 = arith.subf %sub3A_137, %add3A_109 : vector<16xf32>
        %sub3A_139 = arith.subf %sub3A_138, %add3A_122 : vector<16xf32>
        %slice3A_140 = vector.extract_strided_slice %get3A_82 {offsets = [3], sizes = [1], strides = [1]} : vector<16xf32> to vector<1xf32>
        %squeeze3A_141 = vector.extract %slice3A_140[0] : f32 from vector<1xf32>
        %mul3A_142 = vector.broadcast %squeeze3A_141 : f32 to vector<16xf32>
        %mul3A_143 = arith.mulf %add3A_109, %mul3A_142 : vector<16xf32>
        %slice3A_144 = vector.extract_strided_slice %get3A_82 {offsets = [4], sizes = [1], strides = [1]} : vector<16xf32> to vector<1xf32>
        %squeeze3A_145 = vector.extract %slice3A_144[0] : f32 from vector<1xf32>
        %mul3A_146 = vector.broadcast %squeeze3A_145 : f32 to vector<16xf32>
        %mul3A_147 = arith.mulf %add3A_122, %mul3A_146 : vector<16xf32>
        %add3A_148 = arith.addf %mul3A_143, %mul3A_147 : vector<16xf32>
        %slice3A_149 = vector.extract_strided_slice %get3A_82 {offsets = [5], sizes = [1], strides = [1]} : vector<16xf32> to vector<1xf32>
        %squeeze3A_150 = vector.extract %slice3A_149[0] : f32 from vector<1xf32>
        %mul3A_151 = vector.broadcast %squeeze3A_150 : f32 to vector<16xf32>
        %mul3A_152 = arith.mulf %sub3A_139, %mul3A_151 : vector<16xf32>
        %add3A_153 = arith.addf %add3A_148, %mul3A_152 : vector<16xf32>
        %div3A_154 = arith.constant 1.000000e+00 : f32
        %div3A_155 = vector.broadcast %div3A_154 : f32 to vector<16xf32>
        %div3A_156 = arith.divf %div3A_155, %add3A_153 : vector<16xf32>
        %slice3A_157 = vector.extract_strided_slice %get3A_76 {offsets = [13], sizes = [1], strides = [1]} : vector<16xf32> to vector<1xf32>
        %squeeze3A_158 = vector.extract %slice3A_157[0] : f32 from vector<1xf32>
        %mul3A_159 = vector.broadcast %squeeze3A_158 : f32 to vector<16xf32>
        %mul3A_160 = arith.mulf %add3A_109, %mul3A_159 : vector<16xf32>
        %slice3A_161 = vector.extract_strided_slice %get3A_76 {offsets = [14], sizes = [1], strides = [1]} : vector<16xf32> to vector<1xf32>
        %squeeze3A_162 = vector.extract %slice3A_161[0] : f32 from vector<1xf32>
        %mul3A_163 = vector.broadcast %squeeze3A_162 : f32 to vector<16xf32>
        %mul3A_164 = arith.mulf %add3A_122, %mul3A_163 : vector<16xf32>
        %add3A_165 = arith.addf %mul3A_160, %mul3A_164 : vector<16xf32>
        %slice3A_166 = vector.extract_strided_slice %get3A_76 {offsets = [15], sizes = [1], strides = [1]} : vector<16xf32> to vector<1xf32>
        %squeeze3A_167 = vector.extract %slice3A_166[0] : f32 from vector<1xf32>
        %mul3A_168 = vector.broadcast %squeeze3A_167 : f32 to vector<16xf32>
        %mul3A_169 = arith.mulf %sub3A_139, %mul3A_168 : vector<16xf32>
        %add3A_170 = arith.addf %add3A_165, %mul3A_169 : vector<16xf32>
        %mul3A_171 = arith.mulf %add3A_170, %div3A_156 : vector<16xf32>
        %slice3A_172 = vector.extract_strided_slice %get3A_82 {offsets = [0], sizes = [1], strides = [1]} : vector<16xf32> to vector<1xf32>
        %squeeze3A_173 = vector.extract %slice3A_172[0] : f32 from vector<1xf32>
        %mul3A_174 = vector.broadcast %squeeze3A_173 : f32 to vector<16xf32>
        %mul3A_175 = arith.mulf %add3A_109, %mul3A_174 : vector<16xf32>
        %slice3A_176 = vector.extract_strided_slice %get3A_82 {offsets = [1], sizes = [1], strides = [1]} : vector<16xf32> to vector<1xf32>
        %squeeze3A_177 = vector.extract %slice3A_176[0] : f32 from vector<1xf32>
        %mul3A_178 = vector.broadcast %squeeze3A_177 : f32 to vector<16xf32>
        %mul3A_179 = arith.mulf %add3A_122, %mul3A_178 : vector<16xf32>
        %add3A_180 = arith.addf %mul3A_175, %mul3A_179 : vector<16xf32>
        %slice3A_181 = vector.extract_strided_slice %get3A_82 {offsets = [2], sizes = [1], strides = [1]} : vector<16xf32> to vector<1xf32>
        %squeeze3A_182 = vector.extract %slice3A_181[0] : f32 from vector<1xf32>
        %mul3A_183 = vector.broadcast %squeeze3A_182 : f32 to vector<16xf32>
        %mul3A_184 = arith.mulf %sub3A_139, %mul3A_183 : vector<16xf32>
        %add3A_185 = arith.addf %add3A_180, %mul3A_184 : vector<16xf32>
        %mul3A_186 = arith.mulf %add3A_185, %div3A_156 : vector<16xf32>
        %ge3A_187 = arith.constant 0.000000e+00 : f32
        %ge3A_188 = vector.broadcast %ge3A_187 : f32 to vector<16xf32>
        %ge3A_189 = arith.cmpf oge, %add3A_109, %ge3A_188 : vector<16xf32>
        %and3A_190 = arith.andi %and3A_96, %ge3A_189 : vector<16xi1>
        %ge3A_191 = arith.constant 0.000000e+00 : f32
        %ge3A_192 = vector.broadcast %ge3A_191 : f32 to vector<16xf32>
        %ge3A_193 = arith.cmpf oge, %add3A_122, %ge3A_192 : vector<16xf32>
        %and3A_194 = arith.andi %and3A_190, %ge3A_193 : vector<16xi1>
        %ge3A_195 = arith.constant 0.000000e+00 : f32
        %ge3A_196 = vector.broadcast %ge3A_195 : f32 to vector<16xf32>
        %ge3A_197 = arith.cmpf oge, %add3A_135, %ge3A_196 : vector<16xf32>
        %and3A_198 = arith.andi %and3A_194, %ge3A_197 : vector<16xi1>
        %gt3A = arith.cmpf ogt, %div3A_156, %scan3A_71 : vector<16xf32>
        %and3A_199 = arith.andi %and3A_198, %gt3A : vector<16xi1>
        %select_n3A = arith.select %and3A_199, %div3A_156, %scan3A_71 : vector<16xi1>, vector<16xf32>
        %select_n3A_200 = arith.select %and3A_199, %mul3A_171, %scan3A_72 : vector<16xi1>, vector<16xf32>
        %select_n3A_201 = arith.select %and3A_199, %mul3A_186, %scan3A_73 : vector<16xi1>, vector<16xf32>
        scf.yield %select_n3A, %select_n3A_200, %select_n3A_201 : vector<16xf32>, vector<16xf32>, vector<16xf32>
      }
      %scan3A_50 = arith.constant 30 : i32
      %mul3A_51 = arith.constant 3 : i32
      %mul3A_52 = vector.broadcast %mul3A_51 : i32 to vector<16xi32>
      %mul3A_53 = arith.muli %iota3A, %mul3A_52 : vector<16xi32>
      tpu.vector_store_idx %arg6[%mul3A_53], %scan3A_49#1 : memref<48xf32, #tpu.memory_space<vmem>>[vector<16xi32>], vector<16xf32>,
      %mul3A_54 = arith.constant 3 : i32
      %mul3A_55 = vector.broadcast %mul3A_54 : i32 to vector<16xi32>
      %mul3A_56 = arith.muli %iota3A, %mul3A_55 : vector<16xi32>
      %add3A_57 = arith.constant 1 : i32
      %add3A_58 = vector.broadcast %add3A_57 : i32 to vector<16xi32>
      %add3A_59 = arith.addi %mul3A_56, %add3A_58 : vector<16xi32>
      tpu.vector_store_idx %arg6[%add3A_59], %scan3A_49#2 : memref<48xf32, #tpu.memory_space<vmem>>[vector<16xi32>], vector<16xf32>,
      %mul3A_60 = arith.constant 3 : i32
      %mul3A_61 = vector.broadcast %mul3A_60 : i32 to vector<16xi32>
      %mul3A_62 = arith.muli %iota3A, %mul3A_61 : vector<16xi32>
      %add3A_63 = arith.constant 2 : i32
      %add3A_64 = vector.broadcast %add3A_63 : i32 to vector<16xi32>
      %add3A_65 = arith.addi %mul3A_62, %add3A_64 : vector<16xi32>
      tpu.vector_store_idx %arg6[%add3A_65], %scan3A_49#0 : memref<48xf32, #tpu.memory_space<vmem>>[vector<16xi32>], vector<16xf32>,
      %mul3A_66 = arith.constant 3 : i32
      %mul3A_67 = arith.muli %add3A, %mul3A_66 : i32
      %mul3A_68 = arith.constant 16 : i32
      %mul3A_69 = arith.muli %mul3A_67, %mul3A_68 : i32
      "tpu.region"() ({
        %run_scoped3A = tpu.sem_alloc : memref<!tpu.dma_semaphore, #tpu.memory_space<semaphore_mem>>
        %dma_start3A = tpu.memref_slice %arg3[%mul3A_69] : memref<384xf32, #tpu.memory_space<hbm>> -> memref<48xf32, #tpu.memory_space<hbm>>
        %dma_start3A_70 = tpu.memref_slice %arg3[%mul3A_69] : memref<384xf32, #tpu.memory_space<hbm>> -> memref<48xf32, #tpu.memory_space<hbm>>
        tpu.enqueue_dma source(%arg6 : memref<48xf32, #tpu.memory_space<vmem>>) target(%dma_start3A_70 : memref<48xf32, #tpu.memory_space<hbm>>) target_semaphore(%run_scoped3A : memref<!tpu.dma_semaphore, #tpu.memory_space<semaphore_mem>>)
        %dma_wait3A = tpu.memref_slice %arg3[%mul3A_69] : memref<384xf32, #tpu.memory_space<hbm>> -> memref<48xf32, #tpu.memory_space<hbm>>
        %dma_wait3A_71 = tpu.memref_slice %arg3[%mul3A_69] : memref<384xf32, #tpu.memory_space<hbm>> -> memref<48xf32, #tpu.memory_space<hbm>>
        tpu.wait_dma2 semaphore(%run_scoped3A : memref<!tpu.dma_semaphore, #tpu.memory_space<semaphore_mem>>) src(%arg6 : memref<48xf32, #tpu.memory_space<vmem>>) dst(%dma_wait3A_71 : memref<48xf32, #tpu.memory_space<hbm>>)
        tpu.yield
      }) : () -> ()
    } else {
    }
    return
  }
}

</mosaic_0001>

<sc_bundles>
// kernel: kernel.3.cloned.1.call-start
scs
__scs_entry_jumppad:
0x0: {  	(pc) =	sbr.rel $0x88, $3  }
0x1: {  	(tag) =	ssettag $0x0;
	lr =	simm.s32 $0x1  }
0x2: {  	[smem:$0x3F9C] =	sst lr;
	_ =	strace $0xD0000000  }
0x3: {  	_ = 	snop  }
0x4: {  	_ = 	snop  }
0x5: {  	_ = 	snop  }
0x6: {  	_ = 	snop  }
0x7: {  	_ = 	snop  }
__scs_overlays_trampoline_lowered:
0x8: {  	[smem:$0x3FAB] =	sst s0  }
0x9: {  	[smem:$0x3FAC] =	sst s1  }
0xa: {  	[smem:$0x3FAD] =	sst s2  }
0xb: {  	[smem:$0x3FAE] =	sst s3  }
0xc: {  	[smem:$0x3FAF] =	sst s4  }
0xd: {  	[smem:$0x3FB0] =	sst s5  }
0xe: {  	[smem:$0x3FB1] =	sst s6  }
0xf: {  	[smem:$0x3FB2] =	sst s7  }
0x10: {  	[smem:$0x3FB3] =	sst s8  }
0x11: {  	[smem:$0x3FB4] =	sst s9;
	s0 =	simm.s32 @!p0 $0x0  }
0x12: {  	s1 =	sld [smem:$0x3F9A];
	s0 =	simm.s32 @p0 $0x1  }
0x13: {  	[smem:$0x3FB5] =	sst s0;
	s0 =	simm.s32 @!p1 $0x0  }
0x14: {  	s2 =	sld [smem:$0x3F99];
	s0 =	simm.s32 @p1 $0x1  }
0x15: {  	[smem:$0x3FB6] =	sst s0;
	s0 =	simm.s32 @!p2 $0x0  }
0x16: {  	s3 =	sld [smem:$0x3FDB];
	s0 =	simm.s32 @p2 $0x1  }
0x17: {  	s4 =	simm.s32 $0x1BF5;
	[smem:$0x3FB8] =	sst s0  }
0x18: {  	s0 =	sld [smem:$0x3F9B];
	_ =	swait.ge [sflag:s4], $0x0  }
0x19: {  	s7 =	sld [smem:$0x3F9C]  }
0x1a: {  	s8 =	sadd.s32 $0xFFFFE003, lr  }
0x1b: {  	s9 =	sadd.s32 $0xFFFFFEF7, lr;
	s5 =	simm.s32 $0xFFFFFFFF;
	p2 =	slt.u32 s8, $0xFFFFF086  }
0x1c: {  	p1 =	slt.u32 s9, $0xF7A;
	s5 =	simm.s32 @!p2 $0x0  }
0x1d: {  	s5 =	simm.s32 @p1 $0x1;
	p0 =	seq.s32 s7, s2  }
0x1e: {  	s7 =	smul.u32 @!p0 $0xF7A, s2;
	p2 =	seq.s32 @!p0 s5, $0x0  }
0x1f: {  	s9 =	smul.u32 $0xF7A, s1;
	s8 =	simm.s32 @!p0 $0x1BF5;
	p2 =	por !p2, p0  }
0x20: {  	[sflag:s8] =	ssyncset.s32 @!p0 $0xFFFFF086;
	s6 =	sadd.s32 @!p0 s3, s7;
	s7 =	simm.s32 @!p0 $0x108  }
0x21: {  	s3 =	sadd.s32 s3, s9;
	s6 =	sadd.s32 @!p0 $0x88, s6;
	s7 =	simm.s32 @p2 $0x1082  }
0x22: {  	[simem:s7], [sflag:s8] =	dma.local @!p0 [hbm:s6], $0xF7A  }
0x23: {  	s9 =	sor.u32 $0xD0000000, s2;
	s6 =	simm.s32 $0x108;
	_ =	swait.ge @!p0 [sflag:s8], $0x0  }
0x24: {  	s3 =	sadd.s32 $0x88, s3;
	s6 =	simm.s32 @!p1 $0x1082;
	[sflag:s4] =	ssyncset.s32 $0xFFFFF086  }
0x25: {  	[simem:s6], [sflag:s4] =	dma.local [hbm:s3], $0xF7A  }
0x26: {  	[smem:$0x3F9C] =	sst s1;
	(tag) =	ssettag s2;
	_ =	strace s9  }
0x27: {  	s1 =	sld [smem:$0x3FAC]  }
0x28: {  	s2 =	sld [smem:$0x3FAD]  }
0x29: {  	s4 =	sld [smem:$0x3FAF]  }
0x2a: {  	p0 =	seq.s32 s5, $0x0;
	s5 =	sld [smem:$0x3FB0]  }
0x2b: {  	s6 =	sld [smem:$0x3FB1]  }
0x2c: {  	s7 =	sld [smem:$0x3FB2]  }
0x2d: {  	s3 =	simm.s32 $0x108;
	s8 =	sld [smem:$0x3FB3]  }
0x2e: {  	s3 =	simm.s32 @!p0 $0x1082;
	s9 =	sld [smem:$0x3FB4]  }
0x2f: {  	lr =	sadd.s32 s0, s3;
	s0 =	sld [smem:$0x3FAB]  }
0x30: {  	s3 =	sld [smem:$0x3FAE]  }
0x31: {  	[smem:$0x3FB7] =	sst s10  }
0x32: {  	s10 =	sld [smem:$0x3FB5];
	_ =	sdelay $0x3  }
0x33: {  	p0 =	seq.s32 s10, $0x1;
	s10 =	sld [smem:$0x3FB7];
	_ =	sdelay $0x3  }
0x34: {  	[smem:$0x3FB7] =	sst s10  }
0x35: {  	s10 =	sld [smem:$0x3FB6];
	_ =	sdelay $0x3  }
0x36: {  	p1 =	seq.s32 s10, $0x1;
	s10 =	sld [smem:$0x3FB7];
	_ =	sdelay $0x3  }
0x37: {  	[smem:$0x3FB7] =	sst s10  }
0x38: {  	s10 =	sld [smem:$0x3FB8]  }
0x39: {  	_ = 	snop;
	(pc) =	sbr.ind lr, $3  }
0x3a: {  	_ = 	snop  }
0x3b: {  	_ = 	snop  }
0x3c: {  	p2 =	seq.s32 s10, $0x1;
	s10 =	sld [smem:$0x3FB7]  }
0x3d: {  	_ =	shalt  }
0x3e: {  	_ =	shalt  }
0x3f: {  	_ =	shalt  }
0x40: {  	_ =	shalt  }
0x41: {  	_ =	shalt  }
0x42: {  	_ =	shalt  }
0x43: {  	_ =	shalt  }
0x44: {  	_ =	shalt  }
0x45: {  	_ =	shalt  }
0x46: {  	_ =	shalt  }
0x47: {  	_ =	shalt  }
0x48: {  	_ =	shalt  }
0x49: {  	_ =	shalt  }
0x4a: {  	_ =	shalt  }
0x4b: {  	_ =	shalt  }
0x4c: {  	_ =	shalt  }
0x4d: {  	_ =	shalt  }
0x4e: {  	_ =	shalt  }
0x4f: {  	_ =	shalt  }
0x50: {  	_ =	shalt  }
0x51: {  	_ =	shalt  }
0x52: {  	_ =	shalt  }
0x53: {  	_ =	shalt  }
0x54: {  	_ =	shalt  }
0x55: {  	_ =	shalt  }
0x56: {  	_ =	shalt  }
0x57: {  	_ =	shalt  }
0x58: {  	_ =	shalt  }
0x59: {  	_ =	shalt  }
0x5a: {  	_ =	shalt  }
0x5b: {  	_ =	shalt  }
0x5c: {  	_ =	shalt  }
0x5d: {  	_ =	shalt  }
0x5e: {  	_ =	shalt  }
0x5f: {  	_ =	shalt  }
0x60: {  	_ =	shalt  }
0x61: {  	_ =	shalt  }
0x62: {  	_ =	shalt  }
0x63: {  	_ =	shalt  }
0x64: {  	_ =	shalt  }
0x65: {  	_ =	shalt  }
0x66: {  	_ =	shalt  }
0x67: {  	_ =	shalt  }
0x68: {  	_ =	shalt  }
0x69: {  	_ =	shalt  }
0x6a: {  	_ =	shalt  }
0x6b: {  	_ =	shalt  }
0x6c: {  	_ =	shalt  }
0x6d: {  	_ =	shalt  }
0x6e: {  	_ =	shalt  }
0x6f: {  	_ =	shalt  }
0x70: {  	_ =	shalt  }
0x71: {  	_ =	shalt  }
0x72: {  	_ =	shalt  }
0x73: {  	_ =	shalt  }
0x74: {  	_ =	shalt  }
0x75: {  	_ =	shalt  }
0x76: {  	_ =	shalt  }
0x77: {  	_ =	shalt  }
0x78: {  	_ =	shalt  }
0x79: {  	_ =	shalt  }
0x7a: {  	_ =	shalt  }
0x7b: {  	_ =	shalt  }
0x7c: {  	_ =	shalt  }
0x7d: {  	_ =	shalt  }
0x7e: {  	_ =	shalt  }
0x7f: {  	_ =	shalt  }
0x80: {  	_ =	shalt  }
0x81: {  	_ =	shalt  }
0x82: {  	_ =	shalt  }
0x83: {  	_ =	shalt  }
0x84: {  	_ =	shalt  }
0x85: {  	_ =	shalt  }
0x86: {  	_ =	shalt  }
0x87: {  	_ =	shalt  }
.Lfunc_end0:
.L_simem_size_0:
called_computation_lowered:
.L_overlay_start_0:
0x88: {  	s2 =	sld [smem:$0x3FD9]  }
0x89: {  	s3 =	sld [smem:$0x3FFE];
	_ =	sdelay $0x1  }
0x8a: {  	s1 =	srdreg.scid  }
0x8b: {  	s0 =	sand.u32 $0x1, s1  }
0x8c: {  	s17 =	sshll.u32 s0, $0xA;
	s2 =	sadd.s32 s3, s2  }
0x8d: {  	s2 =	sadd.s32 s2, s17  }
0x8e: {  	[smem:$0x3FC3] =	sst s2  }
0x8f: {  	_ = 	snop  }
0x90: {  	s2 =	sld [smem:$0x3FD0];
	(tm) =	ssettm $0x1  }
0x91: {  	s18 =	sld [smem:$0x3FFB];
	_ =	sdelay $0x3  }
0x92: {  	_ =	strace s18  }
0x93: {  	s3 =	sld [smem:$0x3FFC];
	_ =	sdelay $0x3  }
0x94: {  	_ =	strace s3  }
0x95: {  	s3 =	sld [smem:$0x3FFD];
	_ =	sdelay $0x3  }
0x96: {  	_ =	strace s3  }
0x97: {  	_ =	strace $0x8FFFFFFF  }
0x98: {  	s19 =	sld [smem:$0x3FDB];
	_ =	sdelay $0x1  }
0x99: {  	s4 =	simm.s32 $_scs_section_size  }
0x9a: {  	s5 =	simm.s32 $_size__tile_overlayer_lowered;
	s6 =	simm.s32 $_tile_overlayer_lowered  }
0x9b: {  	s22 =	simm.s32 $0x1BFF;
	s21 =	sshll.u32 s6, $0x1;
	s3 =	sadd.s32 s4, s19  }
0x9c: {  	s7 =	simm.s32 $0x0;
	s20 =	sshll.u32 s5, $0x1;
	s5 =	sadd.s32 s21, s3  }
0x9d: {  	[timem:s7], [sflag:s22] =	dma.local [hbm:s5], s20  }
0x9e: {  	_ =	swait.ge [sflag:s22], s20  }
0x9f: {  	s4 =	ssub.s32 $0x0, s20;
	[sflag:s22] =	ssyncset.done $0x0  }
0xa0: {  	[sflag:s22] =	ssyncadd.s32 s4;
	_ =	sdelay $0x1  }
0xa1: {  	s23 =	simm.s32 $0x1B8B  }
0xa2: {  	_ =	swait.ge [sflag:s23], $0x1  }
0xa3: {  	[sflag:s23] =	ssyncset.done $0x0  }
0xa4: {  	s25 =	simm.s32 $0x1B8E;
	s24 =	sld [smem:$0x3FFE];
	[sflag:s23] =	ssyncadd.s32 $0xFFFFFFFF  }
0xa5: {  	s26 =	simm.s32 $execute0_lowered;
	[smem:$0x3FD2] =	sst s25  }
0xa6: {  	s5 =	sshll.u32 s26, $0x1;
	_ =	strace $0x80000046;
	[dreg:$0x1] =	wrdreg $0xFFFFFFFF  }
0xa7: {  	s28 =	simm.s32 $_size_execute0_lowered;
	s3 =	sadd.s32 s3, s5;
	[dreg:$0x0] =	wrdreg $0x0  }
0xa8: {  	s5 =	sshll.u32 s28, $0x1;
	[dreg:$0x2] =	wrdreg s3  }
0xa9: {  	[dreg:$0x3] =	wrdreg s5  }
0xaa: {  	[dreg:$0x4] =	wrdreg $0xC0  }
0xab: {  	_ =	task [dreg:s7], $0x5FFFF  }
0xac: {  	[dreg:$0x1] =	wrdreg $0xFFFFFFFF  }
0xad: {  	[dreg:$0x0] =	wrdreg $0x60  }
0xae: {  	[dreg:$0x2] =	wrdreg s24  }
0xaf: {  	[dreg:$0x3] =	wrdreg s2  }
0xb0: {  	[dreg:$0x4] =	wrdreg $0x9  }
0xb1: {  	_ =	task.clear_ibuf [dreg:s7], $0x5FFFF;
	_ =	strace $0x90000046  }
0xb2: {  	s29 =	simm.s32 $0x9;
	_ =	strace $0x80000048  }
0xb3: {  	_ =	swait.ge [sflag:s29], $0x1  }
0xb4: {  	[sflag:s29] =	ssyncadd.s32 $0xFFFFFFFF  }
0xb5: {  	_ =	strace $0x90000048  }
0xb6: {  	_ =	sfence  }
0xb7: {  	s30 =	sld [smem:$0x0];
	_ =	sdelay $0x2  }
0xb8: {  	s31 =	sshll.u32 s1, $0xD;
	s1 =	sshrl.u32 s1, $0x2  }
0xb9: {  	s3 =	sand.u32 $0x4000, s31;
	s1 =	sadd.s32 s1, s30  }
0xba: {  	s0 =	sor.u32 s3, s0;
	s1 =	sshll.u32 s1, $0x11  }
0xbb: {  	s0 =	sor.u32 s1, s0  }
0xbc: {  	s0 =	sadd.s32 $0x8F2B, s0  }
0xbd: {  	[sflag:s0] =	ssyncadd.remote.s32 $0x1  }
0xbe: {  	_ =	sfence.sel $0xFFFF  }
0xbf: {  	[dreg:$0x0] =	wrdreg $0xFFFFFFFF;
	(pc) =	sbr.abs _section_cstart, $3  }
0xc0: {  	[dreg:$0x1] =	wrdreg $0xFFFFFFFF  }
0xc1: {  	_ =	task.clear_ibuf [dreg:s7], $0x2FFFF;
	_ =	strace $0x9FFFFFFF  }
0xc2: {  	(tm) =	ssettm $0x7FFFFFFF  }
0xc3: {  	_ =	shalt  }
tec
execute0_lowered:
.L_overlay_start_1:
0x0: {  	(tag) =	ssettag $0x1  }
0x1: {  	s3 =	rddreg [dreg:$0x0]  }
0x2: {  	s4 =	rddreg [dreg:$0x1];
	s1 =	simm.s32 $0x0  }
0x3: {  	[smem:$0x7FF] =	sst s1  }
0x4: {  	s0 =	rddreg [dreg:$0x2];
	v0 =	vimm.f32 $5.110000000e+02;
	_ =	strace $0x80000047  }
0x5: {  	(erf) = vrcp.f32 v0;
	_ =	sdelay $0x2  }
0x6: {  	s2 =	stileid.u32  }
0x7: {  	p0 =	sgt.u32 s2, $0x3  }
.Ltmp0:
0x8: {  	_ = 	snop;
	(pc) =	sbr.rel @p0 .LBB2_7-.Ltmp0, $2  }
0x9: {  	_ =	sdelay $0x2  }
0xa: {  	v0 =	vpop (erf)  }
0xb: {  	s5 =	srdreg.scid  }
0xc: {  	s6 =	sshll.u32 s2, $0x1;
	s5 =	sand.u32 $0x1, s5  }
0xd: {  	s6 =	sor.u32 s5, s6  }
0xe: {  	s7 =	sshll.u32 s6, $0x4  }
0xf: {  	s7 =	sadd.s32 $0x80, s7  }
0x10: {  	v1 =	vmov s7  }
0x11: {  	v3 =	vmul.u32 $0x3, v1;
	v1 =	vlaneseq.u32  }
0x12: {  	s3 =	sadd.s32 $0xC00, s3;
	s5 =	ssub.s32 $0x2, s5;
	s6 =	smul.u32 $0x6, s6;
	v2 =	vmul.u32 $0x3, v1  }
0x13: {  	s8 =	simm.s32 $0x700;
	s9 =	simm.s32 $0x2;
	s31 =	sshrl.u32 s5, $0x1;
	v5 =	vbroadcast v3, $0x0  }
0x14: {  	s10 =	simm.s32 $0x0;
	s5 =	ssub.s32 s5, s31;
	s4 =	sadd.s32 s4, s6;
	v3 =	vadd.s32 $0x1, v2  }
0x15: {  	s5 =	smax.u32 s5, $0x1;
	s6 =	simm.s32 $0x1;
	s7 =	simm.s32 $0x300;
	v6 =	vadd.s32 $0x2, v2;
	v4 =	vadd.s32 v2, v5;
	v5 =	vadd.s32 v3, v5  }
.LBB2_2:
0x16: {  	s11 =	simm.s32 $0x0  }
0x17: {  	[tilespmem:s11], [sflag:$0x1] =	stream.linear.gather [hbm4b:s3+s11], $0x300, $0x38;
	[tilespmem:$0x780] =	vst v63  }
0x18: {  	_ =	swait.ge [sflag:s6], $0x300  }
0x19: {  	[sflag:s6] =	ssyncset.done $0x0  }
0x1a: {  	p0 =	por $0x1, $0x1;
	[sflag:s6] =	ssyncadd.s32 $0xFFFFFD00  }
.LBB2_3:
0x1b: {  	v7 =	vor.u32 s11, v1  }
0x1c: {  	vm0 =	vlt.s32 v7, $0x1D  }
0x1d: {  	v8 =	vnsel vm0, $0x1D, v7  }
0x1e: {  	v8 =	vmul.u32 $0x3, v8;
	_ =	sdelay $0x1  }
0x1f: {  	v9 =	vadd.s32 $0xC0, v8  }
0x20: {  	v10 =	vadd.s32 $0xC1, v8  }
0x21: {  	v11 =	vadd.s32 $0xC2, v8;
	_ =	sdelay $0x2  }
0x22: {  	v9 =	vld.idx.msk [tilespmem:v9+s1+$0x0], $0xffff  }
0x23: {  	v10 =	vld.idx.msk [tilespmem:v10+s1+$0x0], $0xffff  }
0x24: {  	v11 =	vld.idx.msk [tilespmem:v11+s1+$0x0], $0xffff;
	_ =	sdelay $0x2  }
0x25: {  	v9 =	vmul.u32 $0x3, v9  }
0x26: {  	v10 =	vmul.u32 $0x3, v10  }
0x27: {  	v11 =	vmul.u32 $0x3, v11;
	_ =	sdelay $0x1  }
0x28: {  	v12 =	vadd.s32 $0x1, v9  }
0x29: {  	v13 =	vadd.s32 $0x1, v10  }
0x2a: {  	v14 =	vadd.s32 $0x1, v11;
	v15 =	vld.idx.msk [tilespmem:v9+s1+$0x0], $0xffff  }
0x2b: {  	v16 =	vld.idx.msk [tilespmem:v10+s1+$0x0], $0xffff  }
0x2c: {  	v17 =	vld.idx.msk [tilespmem:v11+s1+$0x0], $0xffff  }
0x2d: {  	v12 =	vld.idx.msk [tilespmem:v12+s1+$0x0], $0xffff  }
0x2e: {  	v13 =	vld.idx.msk [tilespmem:v13+s1+$0x0], $0xffff  }
0x2f: {  	v14 =	vld.idx.msk [tilespmem:v14+s1+$0x0], $0xffff  }
0x30: {  	v55 =	vadd.s32 $0x120, v8;
	v56 =	vadd.s32 $0x121, v8;
	v8 =	vadd.s32 $0x122, v8;
	_ =	sdelay $0x2  }
0x31: {  	v18 =	vsub.f32 v16, v15;
	v21 =	vsub.f32 v17, v15  }
0x32: {  	v19 =	vsub.f32 v14, v12;
	v20 =	vsub.f32 v13, v12  }
0x33: {  	v8 =	vld.idx.msk [tilespmem:v8+s1+$0x0], $0xffff  }
0x34: {  	v22 =	vmul.f32 v19, v18;
	v20 =	vmul.f32 v21, v20;
	_ =	sdelay $0x1  }
0x35: {  	v20 =	vsub.f32 v22, v20;
	_ =	sdelay $0x1  }
0x36: {  	v8 =	vmul.u32 $0x3, v8;
	v21 =	vld.idx.msk [tilespmem:v55+s1+$0x0], $0xffff;
	v23 =	vmul.f32 $5.000000000e-01, v20;
	_ =	sdelay $0x1  }
0x37: {  	v7 =	vshll.u32 v7, $0x5;
	v28 =	vadd.s32 $0x60, v8;
	v22 =	vld.idx.msk [tilespmem:v56+s1+$0x0], $0xffff;
	vm14 =	veq.f32 v23, $0.0e+00  }
0x38: {  	v30 =	vor.u32 $0x1, v7;
	v8 =	vadd.s32 $0x61, v8;
	v24 =	vsel vm14, $0x3F800000, v23  }
0x39: {  	v31 =	vor.u32 $0x2, v7;
	v9 =	vadd.s32 $0x2, v9;
	(erf) = vrcp.f32 v24  }
0x3a: {  	v33 =	vor.u32 $0x3, v7;
	v10 =	vadd.s32 $0x2, v10;
	v21 =	vmul.u32 $0x3, v21  }
0x3b: {  	v35 =	vor.u32 $0x4, v7;
	v63 =	vor.u32 $0x5, v7;
	v11 =	vadd.s32 $0x2, v11  }
0x3c: {  	v37 =	vor.u32 $0x6, v7;
	v28 =	vld.idx.msk [tilespmem:v28+s1+$0x0], $0xffff;
	v57 =	vadd.s32 $0x60, v21;
	v22 =	vmul.u32 $0x3, v22  }
0x3d: {  	v38 =	vor.u32 $0x7, v7;
	v8 =	vld.idx.msk [tilespmem:v8+s1+$0x0], $0xffff;
	v61 =	vmin.f32 v15, v16;
	v21 =	vadd.s32 $0x61, v21  }
0x3e: {  	v9 =	vld.idx.msk [tilespmem:v9+s1+$0x0], $0xffff;
	v62 =	vmax.f32 v15, v16;
	v25 =	vmul.f32 v14, v16;
	v27 =	vadd.s32 $0x60, v22  }
0x3f: {  	v10 =	vld.idx.msk [tilespmem:v10+s1+$0x0], $0xffff;
	v26 =	vmul.f32 v17, v13;
	v59 =	vmul.f32 v17, v12;
	v22 =	vadd.s32 $0x61, v22  }
0x40: {  	v11 =	vld.idx.msk [tilespmem:v11+s1+$0x0], $0xffff;
	v60 =	vmul.f32 v14, v15;
	v32 =	vmin.f32 v12, v13;
	v34 =	vmax.f32 v12, v13  }
0x41: {  	v40 =	vmul.f32 v13, v15;
	vm15 =	vgt.f32 v20, $0.0e+00;
	vm1 =	vge.f32 v23, $9.999999710e-10;
	v24 =	vld.idx.msk [tilespmem:v57+s1+$0x0], $0xffff  }
0x42: {  	v25 =	vsub.f32 v25, v26;
	v26 =	vmin.f32 v61, v17;
	vm0 =	vmand vm15, vm1;
	v21 =	vld.idx.msk [tilespmem:v21+s1+$0x0], $0xffff;
	v29 =	vpop (erf)  }
0x43: {  	v26 =	vnsel vm0, $0x7F800000, v26;
	v27 =	vld.idx.msk [tilespmem:v27+s1+$0x0], $0xffff;
	v58 =	vmul.f32 $5.000000000e-01, v29;
	v29 =	vmax.f32 v62, v17  }
0x44: {  	v39 =	vor.u32 $0x8, v7;
	v32 =	vmin.f32 v32, v14;
	v22 =	vld.idx.msk [tilespmem:v22+s1+$0x0], $0xffff;
	[tilespmem:v7+s7+$0x0] =	vst.idx.msk $0xffff, v26;
	v29 =	vnsel vm0, $0xFF800000, v29  }
0x45: {  	v34 =	vmax.f32 v34, v14;
	v14 =	vsub.f32 v13, v14;
	(erf) = vrcp.f32 v9;
	[tilespmem:v30+s7+$0x0] =	vst.idx.msk $0xffff, v29  }
0x46: {  	v36 =	vsub.f32 v17, v16;
	(erf) = vrcp.f32 v10;
	v25 =	vmul.f32 v58, v25;
	[tilespmem:v31+s7+$0x0] =	vst.idx.msk $0xffff, v32  }
0x47: {  	v23 =	vsub.f32 v59, v60;
	(erf) = vrcp.f32 v11;
	v14 =	vmul.f32 v58, v14;
	[tilespmem:v33+s7+$0x0] =	vst.idx.msk $0xffff, v34  }
0x48: {  	v41 =	vor.u32 $0x9, v7;
	v16 =	vmul.f32 v16, v12;
	v29 =	vmul.f32 v58, v36;
	[tilespmem:v35+s7+$0x0] =	vst.idx.msk $0xffff, v25  }
0x49: {  	v42 =	vor.u32 $0xA, v7;
	v15 =	vsub.f32 v15, v17;
	v23 =	vmul.f32 v58, v23;
	[tilespmem:v63+s7+$0x0] =	vst.idx.msk $0xffff, v14  }
0x4a: {  	v44 =	vor.u32 $0xB, v7;
	v16 =	vsub.f32 v40, v16;
	v43 =	vmul.f32 v58, v19;
	[tilespmem:v37+s7+$0x0] =	vst.idx.msk $0xffff, v29  }
0x4b: {  	v45 =	vor.u32 $0xC, v7;
	v12 =	vsub.f32 v12, v13;
	v15 =	vmul.f32 v58, v15;
	[tilespmem:v38+s7+$0x0] =	vst.idx.msk $0xffff, v23  }
0x4c: {  	v47 =	vor.u32 $0xD, v7;
	v46 =	vmul.f32 v58, v16;
	[tilespmem:v39+s7+$0x0] =	vst.idx.msk $0xffff, v43  }
0x4d: {  	v48 =	vor.u32 $0xE, v7;
	v12 =	vmul.f32 v58, v12;
	[tilespmem:v41+s7+$0x0] =	vst.idx.msk $0xffff, v15  }
0x4e: {  	v51 =	vor.u32 $0xF, v7;
	v50 =	vmul.f32 v58, v18;
	v49 =	vpop (erf);
	[tilespmem:v42+s7+$0x0] =	vst.idx.msk $0xffff, v46  }
0x4f: {  	v54 =	vor.u32 $0x10, v7;
	v52 =	vpop (erf);
	v53 =	vmul.f32 v24, v49;
	[tilespmem:v44+s7+$0x0] =	vst.idx.msk $0xffff, v12  }
0x50: {  	v57 =	vor.u32 $0x11, v7;
	v55 =	vpop (erf);
	v56 =	vmul.f32 v27, v52;
	[tilespmem:v45+s7+$0x0] =	vst.idx.msk $0xffff, v50  }
0x51: {  	v59 =	vor.u32 $0x12, v7;
	v58 =	vmul.f32 v28, v55;
	[tilespmem:v47+s7+$0x0] =	vst.idx.msk $0xffff, v53  }
0x52: {  	v61 =	vor.u32 $0x13, v7;
	v60 =	vmul.f32 v21, v49;
	[tilespmem:v48+s7+$0x0] =	vst.idx.msk $0xffff, v56  }
0x53: {  	v63 =	vor.u32 $0x14, v7;
	v62 =	vmul.f32 v22, v52;
	[tilespmem:v51+s7+$0x0] =	vst.idx.msk $0xffff, v58  }
0x54: {  	p1 =	por p0, p0;
	v7 =	vor.u32 $0x15, v7;
	v8 =	vmul.f32 v8, v55;
	[tilespmem:v54+s7+$0x0] =	vst.idx.msk $0xffff, v60  }
.Ltmp1:
0x55: {  	[tilespmem:v57+s7+$0x0] =	vst.idx.msk $0xffff, v62;
	(pc) =	sbr.rel @p1 .LBB2_3-.Ltmp1, $4  }
0x56: {  	[tilespmem:v59+s7+$0x0] =	vst.idx.msk $0xffff, v8  }
0x57: {  	[tilespmem:v61+s7+$0x0] =	vst.idx.msk $0xffff, v49  }
0x58: {  	[tilespmem:v63+s7+$0x0] =	vst.idx.msk $0xffff, v52  }
0x59: {  	s11 =	simm.s32 $0x10;
	p0 =	por $0x0, $0x0;
	[tilespmem:v7+s7+$0x0] =	vst.idx.msk $0xffff, v55  }
0x5a: {  	_ =	sdelay $0x2  }
0x5b: {  	s11 =	simm.s32 $0x0  }
0x5c: {  	s30 =	simm.s32 $0x0;
	v7 =	vld.idx.msk [tilespmem:v4+s11+$0x0], $0xffff  }
0x5d: {  	v13 =	vld [tilespmem:s30+$0x300];
	_ =	sdelay $0x1  }
0x5e: {  	v8 =	vld.idx.msk [tilespmem:v5+s11+$0x0], $0xffff;
	_ =	sdelay $0x1  }
0x5f: {  	v11 =	vld [tilespmem:s30+$0x310];
	v7 =	vmul.f32 v7, v0  }
0x60: {  	v9 =	vbroadcast v13, $0x5;
	v12 =	vbroadcast v13, $0xC  }
0x61: {  	v14 =	vbroadcast v13, $0x2;
	v15 =	vbroadcast v13, $0x7  }
0x62: {  	v8 =	vsub.f32 $5.120000000e+02, v8;
	v17 =	vbroadcast v13, $0x8;
	v18 =	vbroadcast v13, $0x4  }
0x63: {  	v19 =	vbroadcast v13, $0xD;
	v20 =	vbroadcast v13, $0x9  }
0x64: {  	v21 =	vbroadcast v11, $0x0;
	v7 =	vadd.f32 v7, v7;
	v8 =	vmul.f32 v8, v0  }
0x65: {  	v22 =	vbroadcast v11, $0x3;
	v23 =	vbroadcast v11, $0x1  }
0x66: {  	v24 =	vbroadcast v13, $0x0;
	v7 =	vadd.f32 $-1.000000000e+00, v7;
	v8 =	vadd.f32 v8, v8  }
0x67: {  	v25 =	vbroadcast v11, $0x5;
	v28 =	vbroadcast v13, $0xF  }
0x68: {  	v16 =	vmul.f32 v9, v7;
	v10 =	vadd.f32 $-1.000000000e+00, v8;
	v8 =	vbroadcast v13, $0x6  }
0x69: {  	v26 =	vbroadcast v13, $0x1;
	v17 =	vmul.f32 v17, v7  }
0x6a: {  	v9 =	vimm.f32 $-Inf;
	v16 =	vadd.f32 v16, v18;
	v8 =	vmul.f32 v8, v10  }
0x6b: {  	vm1 =	vge.f32 v7, v24;
	v15 =	vadd.f32 v17, v15;
	v20 =	vmul.f32 v20, v10  }
0x6c: {  	vm2 =	vle.f32 v7, v26;
	v18 =	vbroadcast v11, $0x4;
	v16 =	vadd.f32 v16, v8  }
0x6d: {  	v17 =	vbroadcast v13, $0xE;
	vm0 =	vge.f32 v10, v14;
	v20 =	vadd.f32 v15, v20  }
0x6e: {  	v14 =	vbroadcast v13, $0x3;
	v24 =	vmul.f32 v12, v10;
	v15 =	vsub.f32 $1.000000000e+00, v16  }
0x6f: {  	s31 =	simm.s32 $0x20;
	vm0 =	vmand vm1, vm0;
	v18 =	vmul.f32 v20, v18;
	v22 =	vmul.f32 v16, v22  }
0x70: {  	v17 =	vmul.f32 v20, v17;
	v29 =	vsub.f32 v15, v20;
	v15 =	vbroadcast v11, $0x2;
	v11 =	vld [tilespmem:s31+$0x300]  }
0x71: {  	v8 =	vimm.f32 $0.0e+00;
	v21 =	vmul.f32 v16, v21;
	v19 =	vmul.f32 v16, v19  }
0x72: {  	v23 =	vmul.f32 v20, v23;
	v18 =	vadd.f32 v18, v22;
	v22 =	vmul.f32 v29, v25  }
0x73: {  	vm0 =	vmand vm0, vm2;
	v12 =	vmul.f32 v29, v15;
	v28 =	vmul.f32 v29, v28  }
0x74: {  	v18 =	vadd.f32 v22, v18;
	v22 =	vbroadcast v13, $0xA;
	v13 =	vbroadcast v13, $0xB  }
0x75: {  	vm1 =	vle.f32 v10, v14;
	v14 =	vbroadcast v11, $0x5;
	v15 =	vbroadcast v11, $0xC  }
0x76: {  	vm1 =	vmand vm1, vm0;
	v26 =	vbroadcast v11, $0x2;
	v27 =	vbroadcast v11, $0x7  }
0x77: {  	vm0 =	vge.f32 v20, $0.0e+00;
	v25 =	vld [tilespmem:s31+$0x310];
	v20 =	vbroadcast v11, $0x8;
	v30 =	vbroadcast v11, $0xE  }
0x78: {  	vm3 =	vge.f32 v16, $0.0e+00;
	v33 =	vbroadcast v11, $0x3;
	(erf) = vrcp.f32 v18  }
0x79: {  	v13 =	vmul.f32 v13, v7;
	v18 =	vadd.f32 v23, v21;
	v23 =	vbroadcast v11, $0x4  }
0x7a: {  	vm3 =	vmand vm1, vm3;
	v21 =	vbroadcast v11, $0xD;
	v14 =	vmul.f32 v14, v7  }
0x7b: {  	v17 =	vadd.f32 v17, v19;
	v19 =	vmul.f32 v20, v7;
	v20 =	vbroadcast v11, $0x9  }
0x7c: {  	v31 =	vbroadcast v25, $0x0;
	v32 =	vbroadcast v25, $0x3;
	vm4 =	vge.f32 v10, v26  }
0x7d: {  	v26 =	vbroadcast v25, $0x5;
	v13 =	vadd.f32 v13, v22;
	v22 =	vadd.f32 v14, v23  }
0x7e: {  	v14 =	vbroadcast v11, $0x6;
	v19 =	vadd.f32 v19, v27;
	v20 =	vmul.f32 v20, v10  }
0x7f: {  	v23 =	vbroadcast v25, $0x4;
	v27 =	vbroadcast v25, $0x2;
	v13 =	vadd.f32 v13, v24  }
0x80: {  	v24 =	vbroadcast v25, $0x1;
	v16 =	vmul.f32 v14, v10;
	v20 =	vadd.f32 v19, v20  }
0x81: {  	v19 =	vbroadcast v11, $0x1;
	vm2 =	vge.f32 v13, $0.0e+00;
	v13 =	vbroadcast v11, $0x0  }
0x82: {  	v14 =	vbroadcast v11, $0xF;
	v16 =	vadd.f32 v22, v16;
	v29 =	vmul.f32 v20, v23  }
0x83: {  	vm5 =	vle.f32 v7, v19;
	v23 =	vmul.f32 v20, v30;
	vm1 =	vge.f32 v7, v13  }
0x84: {  	vm1 =	vmand vm1, vm4;
	v13 =	vsub.f32 $1.000000000e+00, v16;
	vm4 =	vle.f32 v10, v33  }
0x85: {  	v30 =	vmul.f32 v16, v32;
	v25 =	vmul.f32 v16, v31;
	vm1 =	vmand vm1, vm5  }
0x86: {  	s11 =	simm.s32 $0x100;
	v22 =	vpop (erf);
	vm1 =	vmand vm4, vm1;
	v19 =	vsub.f32 v13, v20;
	v13 =	vimm.f32 $0.0e+00  }
.LBB2_5:
0x87: {  	s12 =	sshra.s32 s11, $0x2;
	p0 =	sne.s32 s11, $0xE80;
	s11 =	sadd.s32 $0x80, s11;
	v31 =	vmul.f32 v15, v10;
	v32 =	vmul.f32 v16, v21;
	v15 =	vadd.f32 v12, v18  }
0x88: {  	v21 =	vadd.f32 v29, v30;
	v24 =	vmul.f32 v20, v24;
	v18 =	vld [tilespmem:s12+$0x300];
	v26 =	vmul.f32 v19, v26  }
0x89: {  	v29 =	vbroadcast v11, $0xA;
	v17 =	vadd.f32 v28, v17;
	v12 =	vmul.f32 v19, v27  }
0x8a: {  	vm0 =	vmand vm0, vm3;
	v21 =	vadd.f32 v26, v21;
	v26 =	vmul.f32 v22, v15  }
0x8b: {  	v27 =	vbroadcast v11, $0xB;
	vm0 =	vmand vm2, vm0;
	vm2 =	vgt.f32 v22, v9  }
0x8c: {  	v17 =	vmul.f32 v22, v17;
	vm2 =	vmand vm0, vm2;
	(erf) = vrcp.f32 v21  }
0x8d: {  	v9 =	vsel vm2, v22, v9;
	v21 =	vbroadcast v18, $0x5;
	v15 =	vbroadcast v18, $0xC;
	v11 =	vmovc v18  }
0x8e: {  	v8 =	vsel vm2, v17, v8;
	v28 =	vld [tilespmem:s12+$0x310];
	v30 =	vbroadcast v11, $0x2;
	v22 =	vbroadcast v11, $0x7  }
0x8f: {  	vm0 =	vge.f32 v20, $0.0e+00;
	v13 =	vsel vm2, v26, v13;
	v33 =	vmul.f32 v21, v7  }
0x90: {  	v26 =	vmul.f32 v27, v7;
	v18 =	vadd.f32 v24, v25;
	v20 =	vbroadcast v11, $0x8  }
0x91: {  	v17 =	vadd.f32 v23, v32;
	v24 =	vbroadcast v11, $0x4;
	v21 =	vbroadcast v11, $0xD  }
0x92: {  	v23 =	vbroadcast v11, $0x9;
	v25 =	vadd.f32 v26, v29;
	v20 =	vmul.f32 v20, v7  }
0x93: {  	v27 =	vbroadcast v11, $0x6;
	v29 =	vadd.f32 v33, v24;
	v32 =	vbroadcast v28, $0x4  }
0x94: {  	v25 =	vadd.f32 v25, v31;
	v33 =	vbroadcast v11, $0xE;
	v20 =	vadd.f32 v20, v22  }
0x95: {  	vm3 =	vge.f32 v16, $0.0e+00;
	v23 =	vmul.f32 v23, v10;
	v31 =	vbroadcast v28, $0x0;
	v22 =	vpop (erf)  }
0x96: {  	vm2 =	vge.f32 v25, $0.0e+00;
	v34 =	vbroadcast v28, $0x3;
	v24 =	vbroadcast v28, $0x1  }
0x97: {  	vm4 =	vge.f32 v10, v30;
	v25 =	vbroadcast v11, $0x0;
	v26 =	vbroadcast v28, $0x5  }
0x98: {  	vm3 =	vmand vm1, vm3;
	v30 =	vbroadcast v11, $0x3;
	v16 =	vmul.f32 v27, v10  }
0x99: {  	v35 =	vbroadcast v11, $0xF;
	v27 =	vbroadcast v28, $0x2;
	v20 =	vadd.f32 v20, v23  }
.Ltmp2:
0x9a: {  	v36 =	vbroadcast v11, $0x1;
	v16 =	vadd.f32 v29, v16;
	v28 =	vmul.f32 v19, v14;
	(pc) =	sbr.rel @p0 .LBB2_5-.Ltmp2, $4  }
0x9b: {  	v14 =	vmovc v35;
	vm1 =	vge.f32 v7, v25;
	v29 =	vmul.f32 v20, v32;
	v23 =	vmul.f32 v20, v33  }
0x9c: {  	vm5 =	vle.f32 v7, v36;
	vm1 =	vmand vm1, vm4;
	v19 =	vsub.f32 $1.000000000e+00, v16  }
0x9d: {  	vm4 =	vle.f32 v10, v30;
	v30 =	vmul.f32 v16, v34;
	vm1 =	vmand vm1, vm5  }
0x9e: {  	v25 =	vmul.f32 v16, v31;
	vm1 =	vmand vm4, vm1;
	v19 =	vsub.f32 v19, v20  }
0x9f: {  	_ = 	snop  }
0xa0: {  	v29 =	vadd.f32 v29, v30;
	v26 =	vmul.f32 v19, v26;
	_ =	sdelay $0x1  }
0xa1: {  	v26 =	vadd.f32 v26, v29  }
0xa2: {  	v10 =	vmul.f32 v15, v10  }
0xa3: {  	v54 =	vmul.f32 v16, v21;
	(erf) = vrcp.f32 v26  }
0xa4: {  	v55 =	vmul.f32 v20, v24;
	v56 =	vbroadcast v11, $0xB  }
0xa5: {  	v12 =	vadd.f32 v12, v18;
	v57 =	vbroadcast v11, $0xA;
	v17 =	vadd.f32 v28, v17  }
0xa6: {  	vm0 =	vmand vm0, vm3;
	vm11 =	vgt.f32 v22, v9;
	v7 =	vmul.f32 v56, v7  }
0xa7: {  	vm12 =	vge.f32 v16, $0.0e+00;
	vm13 =	vge.f32 v20, $0.0e+00;
	v58 =	vmul.f32 v19, v27  }
0xa8: {  	vm0 =	vmand vm2, vm0;
	v14 =	vmul.f32 v19, v14;
	v7 =	vadd.f32 v7, v57  }
0xa9: {  	vm1 =	vmand vm1, vm12;
	v12 =	vmul.f32 v22, v12;
	v60 =	vadd.f32 v23, v54  }
0xaa: {  	v17 =	vmul.f32 v22, v17;
	v61 =	vadd.f32 v55, v25;
	v7 =	vadd.f32 v7, v10  }
0xab: {  	vm0 =	vmand vm0, vm11;
	vm1 =	vmand vm13, vm1;
	v62 =	vadd.f32 v14, v60  }
0xac: {  	v59 =	vsel vm0, v22, v9;
	vm14 =	vge.f32 v7, $0.0e+00;
	v7 =	vadd.f32 v58, v61;
	v63 =	vpop (erf)  }
0xad: {  	vm1 =	vmand vm14, vm1;
	vm15 =	vgt.f32 v63, v59;
	v10 =	vmul.f32 v63, v62  }
0xae: {  	v8 =	vsel vm0, v17, v8;
	v7 =	vmul.f32 v63, v7;
	vm1 =	vmand vm1, vm15  }
0xaf: {  	v12 =	vsel vm0, v12, v13;
	v8 =	vsel vm1, v10, v8  }
0xb0: {  	s10 =	sadd.s32 $0x1, s10;
	v7 =	vsel vm1, v7, v12;
	[tilespmem:v2+s8+$0x0] =	vst.idx.msk $0xffff, v8  }
0xb1: {  	p0 =	sne.s32 s10, s5;
	v8 =	vsel vm1, v63, v59;
	[tilespmem:v3+s8+$0x0] =	vst.idx.msk $0xffff, v7  }
.Ltmp3:
0xb2: {  	[tilespmem:v6+s8+$0x0] =	vst.idx.msk $0xffff, v8;
	(pc) =	sbr.rel @p0 .LBB2_2-.Ltmp3, $4  }
0xb3: {  	[hbm4b:s4+s1] =	stream.linear.scatter [tilespmem:s8], [sflag:$0x2], $0x30, $0x38;
	[tilespmem:$0x780] =	vst v63  }
0xb4: {  	_ =	swait.ge [sflag:s9], $0x30  }
0xb5: {  	[sflag:s9] =	ssyncset.done $0x0  }
0xb6: {  	[sflag:s9] =	ssyncadd.s32 $0xFFFFFFD0  }
.LBB2_7:
0xb7: {  	_ =	sfence.sel $0x180000  }
0xb8: {  	[bflag:$0x0] =	sbarrier.arrive $0xFFFF  }
0xb9: {  	p0 =	sne.s32 s2, $0x0;
	_ =	strace $0x90000047  }
0xba: {  	s0 =	sadd.s32 @!p0 $0x100000, s0;
	[bflag:$0x2] =	sbarrier.arrive $0xFFFF  }
0xbb: {  	[sflag:s0] =	ssyncadd.tile.s32 @!p0 $0x1;
	_ =	shalt  }
.Lfunc_end2:
_tile_overlayer_lowered:
.L_overlay_start_2:
0xbc: {  	(tag) =	ssettag $0x2  }
0xbd: {  	s0 =	rddreg [dreg:$0x0];
	s2 =	stileid.u32  }
0xbe: {  	s1 =	rddreg [dreg:$0x1];
	p0 =	sne.s32 s2, $0x0  }
0xbf: {  	s3 =	rddreg [dreg:$0x2];
	[bflag:$0x3] =	sbarrier.arrive $0xFFFF;
	s2 =	simm.s32 @!p0 $0x1C02  }
0xc0: {  	[timem:s3], [sflag:s2] =	dma.local @!p0 [hbm:s0], s1  }
0xc1: {  	s0 =	simm.s32 @!p0 $0x2  }
0xc2: {  	_ =	swait.ge @!p0 [sflag:s0], s1  }
0xc3: {  	s1 =	ssub.s32 @!p0 $0x0, s1;
	[sflag:s0] =	ssyncset.done @!p0 $0x0  }
0xc4: {  	[sflag:s0] =	ssyncadd.s32 @!p0 s1  }
0xc5: {  	[bflag:$0x3] =	sbarrier.arrive $0xFFFF  }
0xc6: {  	_ =	shalt  }

</sc_bundles>
